<compile_context>
chip_gen: v7x
topology: tpu7x:2x2x1
jax: 0.10.2.dev20260603
libtpu: 0.0.44.dev20260713+nightly
codegen_flags: <defaults>
</compile_context>

<pallas_src>
import functools

import jax
import jax.numpy as jnp
import numpy as np
from jax import lax
from jax.experimental import pallas as pl
from jax.experimental.pallas import tpu as pltpu
from jax.experimental.pallas import tpu_sc as plsc

D = 32
EPS = 1e-5

NC = 2
NS = 16
NW = NC * NS

IDX_MINOR = 128
GATHERS_PER_CHUNK = 8
CHUNK = IDX_MINOR * GATHERS_PER_CHUNK

TBLK = 8192
TSUB = TBLK // 4

KB = 2048
RB = KB // 4


def _tc_pack_table(table_t, ident, n_blocks):

    def body(z_ref, e_ref, o_ref):
        z = z_ref[...]
        acc = None
        for q in range(4):
            zq = z[:, q * TSUB:(q + 1) * TSUB]
            eq = e_ref[pl.ds(q * D, D), :]
            t = lax.dot_general(
                zq, eq, (((0,), (0,)), ((), ())),
                preferred_element_type=jnp.float32,
            )
            acc = t if acc is None else acc + t
        o_ref[...] = acc

    return pl.pallas_call(
        body,
        grid=(n_blocks,),
        in_specs=[
            pl.BlockSpec((D, TBLK), lambda j: (0, j)),
            pl.BlockSpec((128, 128), lambda j: (0, 0)),
        ],
        out_specs=pl.BlockSpec((TSUB, 128), lambda j: (j, 0)),
        out_shape=jax.ShapeDtypeStruct((n_blocks * TSUB, 128), jnp.float32),
        compiler_params=pltpu.CompilerParams(fuse_transposed_lhs_in_matmul=True),
    )(table_t, ident)


def _sc_gather(x_grouped, table, L, B):
    n_idx_rows = x_grouped.shape[1]
    n_per_w = n_idx_rows * IDX_MINOR
    n_chunks = n_per_w // CHUNK
    kb_per_l = B // KB

    mesh = plsc.VectorSubcoreMesh(core_axis_name="c", subcore_axis_name="s")

    @functools.partial(
        pl.kernel,
        mesh=mesh,
        out_type=jax.ShapeDtypeStruct((L, kb_per_l, RB, 4, D), jnp.float32),
        compiler_params=pltpu.CompilerParams(use_tc_tiling_on_sc=False),
        scratch_types=[
            pltpu.VMEM((n_idx_rows, IDX_MINOR), jnp.int32),
            pltpu.VMEM((CHUNK, D), jnp.float32),
            pltpu.SemaphoreType.DMA,
        ],
    )
    def k(x_hbm, table_hbm, out_hbm, idx_v, rows_v, sem):
        wid = lax.axis_index("c") * NS + lax.axis_index("s")
        ch0 = wid * n_chunks
        pltpu.sync_copy(x_hbm.at[wid], idx_v)

        @pl.loop(0, n_chunks, unroll=1)
        def chunk_body(c):
            ch = ch0 + c
            span = ch // 2
            uc = ch % 2
            l = span // kb_per_l
            kb = span % kb_per_l
            descs = []
            for j in range(GATHERS_PER_CHUNK):
                descs.append(
                    pltpu.async_copy(
                        table_hbm.at[idx_v.at[c * GATHERS_PER_CHUNK + j]],
                        rows_v.at[pl.ds(j * IDX_MINOR, IDX_MINOR)],
                        sem,
                    )
                )
            for dsc in descs:
                dsc.wait()
            pltpu.sync_copy(rows_v.at[pl.ds(0, RB)], out_hbm.at[l, kb, :, 2 * uc])
            pltpu.sync_copy(
                rows_v.at[pl.ds(RB, RB)], out_hbm.at[l, kb, :, 2 * uc + 1]
            )

    return k(x_grouped, table)


def _tc_norm_t(z4, seg, gd, bb, L, B):
    nkb = B // KB

    def body(z_ref, seg_ref, g_ref, b_ref, o_ref):
        z = z_ref[...]
        s = seg_ref[...]
        gd32 = g_ref[...]
        bcol = b_ref[...][:, 0:1]
        s1 = jnp.dot(z, s, preferred_element_type=jnp.float32)
        s2 = jnp.dot(z * z, s, preferred_element_type=jnp.float32)
        mean = s1 * (1.0 / D)
        var = s2 * (1.0 / D) - mean * mean
        rstd = lax.rsqrt(var + EPS)
        u = (z - mean) * rstd
        for sseg in range(4):
            uq = u[:, sseg * D:(sseg + 1) * D]
            t = lax.dot_general(
                gd32, uq, (((1,), (1,)), ((), ())),
                preferred_element_type=jnp.float32,
            )
            o_ref[0, :, sseg * RB:(sseg + 1) * RB] = jnp.maximum(t + bcol, 0.0)

    return pl.pallas_call(
        body,
        grid=(L, nkb),
        in_specs=[
            pl.BlockSpec((RB, 128), lambda l, kb: (l * nkb + kb, 0)),
            pl.BlockSpec((128, 128), lambda l, kb: (0, 0)),
            pl.BlockSpec((D, D), lambda l, kb: (0, 0)),
            pl.BlockSpec((D, 128), lambda l, kb: (0, 0)),
        ],
        out_specs=pl.BlockSpec((1, D, KB), lambda l, kb: (l, 0, kb)),
        out_shape=jax.ShapeDtypeStruct((L, D, B), jnp.float32),
    )(z4, seg, gd, bb)


def kernel(x, table, gamma, beta):
    B, L = x.shape
    V = table.shape[0]
    N = B * L
    n_blocks = (V + TBLK - 1) // TBLK

    ident = jnp.asarray(np.eye(128), dtype=jnp.float32)
    t4 = _tc_pack_table(table.T, ident, n_blocks)
    tpack = t4.reshape(n_blocks * TBLK, D)

    xq = (
        jnp.left_shift(jnp.right_shift(x, 13), 13)
        | jnp.left_shift(x & 2047, 2)
        | (jnp.right_shift(x, 11) & 3)
    )
    xp = xq.T.reshape(NW, N // (NW * IDX_MINOR), IDX_MINOR)
    g = _sc_gather(xp, tpack, L, B)

    z4 = g.reshape(N // 4, 4 * D)
    seg = jnp.asarray(
        (np.arange(128)[:, None] // D) == (np.arange(128)[None, :] // D),
        dtype=jnp.float32,
    )
    gd = jnp.diag(gamma)
    bb = jnp.broadcast_to(beta[:, None], (D, 128))
    out_t = _tc_norm_t(z4, seg, gd, bb, L, B)
    return jnp.transpose(out_t, (2, 0, 1))

# --- scband reference (transcript-rebuilt; emitter-appended) ---
"""Pipeline reference for scband-embedding-layer-13580686590496 (READ-ONLY COPY).

The authoritative reference and input builder live on the scoring server;
editing this copy changes nothing except your own understanding.
"""

import jax, jax.numpy as jnp
import numpy as np

V = 1000000
D = 32
B = 16384
L = 50
PAD = 0
EPS = 1e-5

def setup_inputs(seed: int = 0) -> dict:
    key = jax.random.key(seed)
    k1, k2 = jax.random.split(key, 2)
    x = jax.random.randint(k1, (B, L), 0, V, dtype=jnp.int32)
    table = jax.random.normal(k2, (V, D), dtype=jnp.float32) * 0.02
    table = table.at[PAD].set(0.0)
    gamma = jnp.ones((D,), dtype=jnp.float32)
    beta = jnp.zeros((D,), dtype=jnp.float32)
    return {"x": x, "table": table, "gamma": gamma, "beta": beta}

def reference(x, table, gamma, beta):
    # embedding lookup (padding_idx row is zero)
    z = jnp.take(table, x, axis=0)  # [B, L, D]
    # LayerNorm over embedding_dim
    mean = jnp.mean(z, axis=-1, keepdims=True)
    var = jnp.var(z, axis=-1, keepdims=True)
    z = (z - mean) / jnp.sqrt(var + EPS) * gamma + beta
    # activation
    z = jax.nn.relu(z)
    # dropout with p=0.0 is identity (eval mode)
    return z

if __name__ == "__main__":
    import jax
    _d = setup_inputs()
    print(jax.jit(kernel)(*tuple(_d.values())))

</pallas_src>

<mosaic_0001>
#map = affine_map<(d0, d1) -> (0, 0, 0)>
#map1 = affine_map<(d0, d1) -> (0, 0)>
#map2 = affine_map<(d0, d1) -> (0, 0, 0, 0, 0)>
module attributes {stable_mosaic.version = 14 : i64} {
  func.func @k(%arg0: i32, %arg1: i32, %arg2: memref<32x200x128xi32, #tpu.memory_space<hbm>>, %arg3: memref<1007616x32xf32, #tpu.memory_space<hbm>>, %arg4: memref<50x8x512x4x32xf32, #tpu.memory_space<hbm>>, %arg5: memref<200x128xi32, #tpu.memory_space<vmem>>, %arg6: memref<1024x32xf32, #tpu.memory_space<vmem>>, %arg7: memref<!tpu.dma_semaphore, #tpu.memory_space<semaphore_mem>>) attributes {dimension_semantics = [#tpu.dimension_semantics<core_parallel>, #tpu.dimension_semantics<subcore_parallel>], iteration_bounds = array<i64: 2, 16>, scalar_prefetch = 0 : i64, scratch_operands = 3 : i64, tpu.core_type = #tpu.core_type<sc_vector_subcore>, window_params = [{transform_indices = #map}, {transform_indices = #map1}, {transform_indices = #map2}]} {
    %mul3A = arith.constant 16 : i32
    %mul3A_0 = arith.muli %arg0, %mul3A : i32
    %add3A = arith.addi %mul3A_0, %arg1 : i32
    %mul3A_1 = arith.constant 25 : i32
    %mul3A_2 = arith.muli %add3A, %mul3A_1 : i32
    "tpu.region"() ({
      %run_scoped3A = tpu.sem_alloc : memref<!tpu.dma_semaphore, #tpu.memory_space<semaphore_mem>>
      %dma_start3A = arith.constant 0 : i32
      %dma_start3A_7 = arith.constant 0 : i32
      %dma_start3A_8 = tpu.memref_slice %arg2[%add3A, %dma_start3A, %dma_start3A_7] : memref<32x200x128xi32, #tpu.memory_space<hbm>> -> memref<1x200x128xi32, #tpu.memory_space<hbm>>
      %dma_start3A_9 = tpu.memref_squeeze %dma_start3A_8 : memref<1x200x128xi32, #tpu.memory_space<hbm>> -> memref<200x128xi32, #tpu.memory_space<hbm>>
      %dma_start3A_10 = arith.constant 0 : i32
      %dma_start3A_11 = arith.constant 0 : i32
      %dma_start3A_12 = tpu.memref_slice %arg2[%add3A, %dma_start3A_10, %dma_start3A_11] : memref<32x200x128xi32, #tpu.memory_space<hbm>> -> memref<1x200x128xi32, #tpu.memory_space<hbm>>
      %dma_start3A_13 = tpu.memref_squeeze %dma_start3A_12 : memref<1x200x128xi32, #tpu.memory_space<hbm>> -> memref<200x128xi32, #tpu.memory_space<hbm>>
      tpu.enqueue_dma source(%dma_start3A_13 : memref<200x128xi32, #tpu.memory_space<hbm>>) target(%arg5 : memref<200x128xi32, #tpu.memory_space<vmem>>) target_semaphore(%run_scoped3A : memref<!tpu.dma_semaphore, #tpu.memory_space<semaphore_mem>>)
      %dma_wait3A = arith.constant 0 : i32
      %dma_wait3A_14 = arith.constant 0 : i32
      %dma_wait3A_15 = tpu.memref_slice %arg2[%add3A, %dma_wait3A, %dma_wait3A_14] : memref<32x200x128xi32, #tpu.memory_space<hbm>> -> memref<1x200x128xi32, #tpu.memory_space<hbm>>
      %dma_wait3A_16 = tpu.memref_squeeze %dma_wait3A_15 : memref<1x200x128xi32, #tpu.memory_space<hbm>> -> memref<200x128xi32, #tpu.memory_space<hbm>>
      %dma_wait3A_17 = arith.constant 0 : i32
      %dma_wait3A_18 = arith.constant 0 : i32
      %dma_wait3A_19 = tpu.memref_slice %arg2[%add3A, %dma_wait3A_17, %dma_wait3A_18] : memref<32x200x128xi32, #tpu.memory_space<hbm>> -> memref<1x200x128xi32, #tpu.memory_space<hbm>>
      %dma_wait3A_20 = tpu.memref_squeeze %dma_wait3A_19 : memref<1x200x128xi32, #tpu.memory_space<hbm>> -> memref<200x128xi32, #tpu.memory_space<hbm>>
      tpu.wait_dma2 semaphore(%run_scoped3A : memref<!tpu.dma_semaphore, #tpu.memory_space<semaphore_mem>>) src(%dma_wait3A_20 : memref<200x128xi32, #tpu.memory_space<hbm>>) dst(%arg5 : memref<200x128xi32, #tpu.memory_space<vmem>>)
      tpu.yield
    }) : () -> ()
    %scan3A = arith.constant 0 : i32
    %scan3A_3 = arith.constant 25 : i32
    %scan3A_4 = arith.addi %scan3A, %scan3A_3 : i32
    %scan3A_5 = arith.constant 1 : i32
    scf.for %scan3A_7 = %scan3A to %scan3A_4 step %scan3A_5  : i32 {
      %mul3A_8 = arith.constant 1 : i32
      %mul3A_9 = arith.muli %scan3A_7, %mul3A_8 : i32
      %add3A_10 = arith.constant 0 : i32
      %add3A_11 = arith.addi %add3A_10, %mul3A_9 : i32
      %add3A_12 = arith.addi %mul3A_2, %add3A_11 : i32
      %jit3A = arith.constant 2 : i32
      %div3A = arith.divsi %add3A_12, %jit3A : i32
      %sign3A = arith.constant 0 : i32
      %sign3A_13 = arith.cmpi sgt, %add3A_12, %sign3A : i32
      %sign3A_14 = arith.extui %sign3A_13 : i1 to i32
      %sign3A_15 = arith.constant 0 : i32
      %sign3A_16 = arith.cmpi slt, %add3A_12, %sign3A_15 : i32
      %sign3A_17 = arith.extui %sign3A_16 : i1 to i32
      %sign3A_18 = arith.subi %sign3A_14, %sign3A_17 : i32
      %sign3A_19 = arith.constant 0 : i32
      %sign3A_20 = arith.cmpi sgt, %jit3A, %sign3A_19 : i32
      %sign3A_21 = arith.extui %sign3A_20 : i1 to i32
      %sign3A_22 = arith.constant 0 : i32
      %sign3A_23 = arith.cmpi slt, %jit3A, %sign3A_22 : i32
      %sign3A_24 = arith.extui %sign3A_23 : i1 to i32
      %sign3A_25 = arith.subi %sign3A_21, %sign3A_24 : i32
      %ne3A = arith.cmpi ne, %sign3A_18, %sign3A_25 : i32
      %rem3A = arith.remsi %add3A_12, %jit3A : i32
      %ne3A_26 = arith.constant 0 : i32
      %ne3A_27 = arith.cmpi ne, %rem3A, %ne3A_26 : i32
      %and3A = arith.andi %ne3A, %ne3A_27 : i1
      %sub3A = arith.constant 1 : i32
      %sub3A_28 = arith.subi %div3A, %sub3A : i32
      %select_n3A = arith.select %and3A, %sub3A_28, %div3A : i32
      %jit3A_29 = arith.constant 2 : i32
      %eq3A = arith.constant 0 : i32
      %eq3A_30 = arith.cmpi eq, %jit3A_29, %eq3A : i32
      %jit3A_31 = arith.constant 1 : i32
      %select_n3A_32 = arith.select %eq3A_30, %jit3A_31, %jit3A_29 : i32
      %rem3A_33 = arith.remsi %add3A_12, %select_n3A_32 : i32
      %ne3A_34 = arith.constant 0 : i32
      %ne3A_35 = arith.cmpi ne, %rem3A_33, %ne3A_34 : i32
      %lt3A = arith.constant 0 : i32
      %lt3A_36 = arith.cmpi slt, %rem3A_33, %lt3A : i32
      %lt3A_37 = arith.constant 0 : i32
      %lt3A_38 = arith.cmpi slt, %select_n3A_32, %lt3A_37 : i32
      %ne3A_39 = arith.xori %lt3A_36, %lt3A_38 : i1
      %and3A_40 = arith.andi %ne3A_39, %ne3A_35 : i1
      %add3A_41 = arith.addi %rem3A_33, %select_n3A_32 : i32
      %select_n3A_42 = arith.select %and3A_40, %add3A_41, %rem3A_33 : i32
      %jit3A_43 = arith.constant 8 : i32
      %div3A_44 = arith.divsi %select_n3A, %jit3A_43 : i32
      %sign3A_45 = arith.constant 0 : i32
      %sign3A_46 = arith.cmpi sgt, %select_n3A, %sign3A_45 : i32
      %sign3A_47 = arith.extui %sign3A_46 : i1 to i32
      %sign3A_48 = arith.constant 0 : i32
      %sign3A_49 = arith.cmpi slt, %select_n3A, %sign3A_48 : i32
      %sign3A_50 = arith.extui %sign3A_49 : i1 to i32
      %sign3A_51 = arith.subi %sign3A_47, %sign3A_50 : i32
      %sign3A_52 = arith.constant 0 : i32
      %sign3A_53 = arith.cmpi sgt, %jit3A_43, %sign3A_52 : i32
      %sign3A_54 = arith.extui %sign3A_53 : i1 to i32
      %sign3A_55 = arith.constant 0 : i32
      %sign3A_56 = arith.cmpi slt, %jit3A_43, %sign3A_55 : i32
      %sign3A_57 = arith.extui %sign3A_56 : i1 to i32
      %sign3A_58 = arith.subi %sign3A_54, %sign3A_57 : i32
      %ne3A_59 = arith.cmpi ne, %sign3A_51, %sign3A_58 : i32
      %rem3A_60 = arith.remsi %select_n3A, %jit3A_43 : i32
      %ne3A_61 = arith.constant 0 : i32
      %ne3A_62 = arith.cmpi ne, %rem3A_60, %ne3A_61 : i32
      %and3A_63 = arith.andi %ne3A_59, %ne3A_62 : i1
      %sub3A_64 = arith.constant 1 : i32
      %sub3A_65 = arith.subi %div3A_44, %sub3A_64 : i32
      %select_n3A_66 = arith.select %and3A_63, %sub3A_65, %div3A_44 : i32
      %jit3A_67 = arith.constant 8 : i32
      %eq3A_68 = arith.constant 0 : i32
      %eq3A_69 = arith.cmpi eq, %jit3A_67, %eq3A_68 : i32
      %jit3A_70 = arith.constant 1 : i32
      %select_n3A_71 = arith.select %eq3A_69, %jit3A_70, %jit3A_67 : i32
      %rem3A_72 = arith.remsi %select_n3A, %select_n3A_71 : i32
      %ne3A_73 = arith.constant 0 : i32
      %ne3A_74 = arith.cmpi ne, %rem3A_72, %ne3A_73 : i32
      %lt3A_75 = arith.constant 0 : i32
      %lt3A_76 = arith.cmpi slt, %rem3A_72, %lt3A_75 : i32
      %lt3A_77 = arith.constant 0 : i32
      %lt3A_78 = arith.cmpi slt, %select_n3A_71, %lt3A_77 : i32
      %ne3A_79 = arith.xori %lt3A_76, %lt3A_78 : i1
      %and3A_80 = arith.andi %ne3A_79, %ne3A_74 : i1
      %add3A_81 = arith.addi %rem3A_72, %select_n3A_71 : i32
      %select_n3A_82 = arith.select %and3A_80, %add3A_81, %rem3A_72 : i32
      %mul3A_83 = arith.constant 8 : i32
      %mul3A_84 = arith.muli %add3A_11, %mul3A_83 : i32
      %add3A_85 = arith.constant 0 : i32
      %add3A_86 = arith.addi %mul3A_84, %add3A_85 : i32
      %dma_start3A = arith.constant 0 : i32
      %dma_start3A_87 = arith.constant 0 : i32
      %dma_start3A_88 = tpu.memref_slice %arg6[%dma_start3A, %dma_start3A_87] : memref<1024x32xf32, #tpu.memory_space<vmem>> -> memref<128x32xf32, #tpu.memory_space<vmem>>
      %dma_start3A_89 = arith.constant 0 : i32
      %dma_start3A_90 = tpu.memref_slice %arg5[%add3A_86, %dma_start3A_89] : memref<200x128xi32, #tpu.memory_space<vmem>> -> memref<1x128xi32, #tpu.memory_space<vmem>>
      %dma_start3A_91 = tpu.memref_squeeze %dma_start3A_90 : memref<1x128xi32, #tpu.memory_space<vmem>> -> memref<128xi32, #tpu.memory_space<vmem>>
      %dma_start3A_92 = arith.constant 0 : i32
      %dma_start3A_93 = arith.constant 0 : i32
      %dma_start3A_94 = tpu.memref_slice %arg3[%dma_start3A_92, %dma_start3A_93] : memref<1007616x32xf32, #tpu.memory_space<hbm>> -> memref<1007616x32xf32, #tpu.memory_space<hbm>>
      tpu.enqueue_indirect_dma source(%dma_start3A_94 : memref<1007616x32xf32, #tpu.memory_space<hbm>>) target(%dma_start3A_88 : memref<128x32xf32, #tpu.memory_space<vmem>>) offsets(%dma_start3A_91 : memref<128xi32, #tpu.memory_space<vmem>>) semaphore(%arg7 : memref<!tpu.dma_semaphore, #tpu.memory_space<semaphore_mem>>)
      %mul3A_95 = arith.constant 8 : i32
      %mul3A_96 = arith.muli %add3A_11, %mul3A_95 : i32
      %add3A_97 = arith.constant 1 : i32
      %add3A_98 = arith.addi %mul3A_96, %add3A_97 : i32
      %dma_start3A_99 = arith.constant 128 : i32
      %dma_start3A_100 = arith.constant 0 : i32
      %dma_start3A_101 = tpu.memref_slice %arg6[%dma_start3A_99, %dma_start3A_100] : memref<1024x32xf32, #tpu.memory_space<vmem>> -> memref<128x32xf32, #tpu.memory_space<vmem>>
      %dma_start3A_102 = arith.constant 0 : i32
      %dma_start3A_103 = tpu.memref_slice %arg5[%add3A_98, %dma_start3A_102] : memref<200x128xi32, #tpu.memory_space<vmem>> -> memref<1x128xi32, #tpu.memory_space<vmem>>
      %dma_start3A_104 = tpu.memref_squeeze %dma_start3A_103 : memref<1x128xi32, #tpu.memory_space<vmem>> -> memref<128xi32, #tpu.memory_space<vmem>>
      %dma_start3A_105 = arith.constant 0 : i32
      %dma_start3A_106 = arith.constant 0 : i32
      %dma_start3A_107 = tpu.memref_slice %arg3[%dma_start3A_105, %dma_start3A_106] : memref<1007616x32xf32, #tpu.memory_space<hbm>> -> memref<1007616x32xf32, #tpu.memory_space<hbm>>
      tpu.enqueue_indirect_dma source(%dma_start3A_107 : memref<1007616x32xf32, #tpu.memory_space<hbm>>) target(%dma_start3A_101 : memref<128x32xf32, #tpu.memory_space<vmem>>) offsets(%dma_start3A_104 : memref<128xi32, #tpu.memory_space<vmem>>) semaphore(%arg7 : memref<!tpu.dma_semaphore, #tpu.memory_space<semaphore_mem>>)
      %mul3A_108 = arith.constant 8 : i32
      %mul3A_109 = arith.muli %add3A_11, %mul3A_108 : i32
      %add3A_110 = arith.constant 2 : i32
      %add3A_111 = arith.addi %mul3A_109, %add3A_110 : i32
      %dma_start3A_112 = arith.constant 256 : i32
      %dma_start3A_113 = arith.constant 0 : i32
      %dma_start3A_114 = tpu.memref_slice %arg6[%dma_start3A_112, %dma_start3A_113] : memref<1024x32xf32, #tpu.memory_space<vmem>> -> memref<128x32xf32, #tpu.memory_space<vmem>>
      %dma_start3A_115 = arith.constant 0 : i32
      %dma_start3A_116 = tpu.memref_slice %arg5[%add3A_111, %dma_start3A_115] : memref<200x128xi32, #tpu.memory_space<vmem>> -> memref<1x128xi32, #tpu.memory_space<vmem>>
      %dma_start3A_117 = tpu.memref_squeeze %dma_start3A_116 : memref<1x128xi32, #tpu.memory_space<vmem>> -> memref<128xi32, #tpu.memory_space<vmem>>
      %dma_start3A_118 = arith.constant 0 : i32
      %dma_start3A_119 = arith.constant 0 : i32
      %dma_start3A_120 = tpu.memref_slice %arg3[%dma_start3A_118, %dma_start3A_119] : memref<1007616x32xf32, #tpu.memory_space<hbm>> -> memref<1007616x32xf32, #tpu.memory_space<hbm>>
      tpu.enqueue_indirect_dma source(%dma_start3A_120 : memref<1007616x32xf32, #tpu.memory_space<hbm>>) target(%dma_start3A_114 : memref<128x32xf32, #tpu.memory_space<vmem>>) offsets(%dma_start3A_117 : memref<128xi32, #tpu.memory_space<vmem>>) semaphore(%arg7 : memref<!tpu.dma_semaphore, #tpu.memory_space<semaphore_mem>>)
      %mul3A_121 = arith.constant 8 : i32
      %mul3A_122 = arith.muli %add3A_11, %mul3A_121 : i32
      %add3A_123 = arith.constant 3 : i32
      %add3A_124 = arith.addi %mul3A_122, %add3A_123 : i32
      %dma_start3A_125 = arith.constant 384 : i32
      %dma_start3A_126 = arith.constant 0 : i32
      %dma_start3A_127 = tpu.memref_slice %arg6[%dma_start3A_125, %dma_start3A_126] : memref<1024x32xf32, #tpu.memory_space<vmem>> -> memref<128x32xf32, #tpu.memory_space<vmem>>
      %dma_start3A_128 = arith.constant 0 : i32
      %dma_start3A_129 = tpu.memref_slice %arg5[%add3A_124, %dma_start3A_128] : memref<200x128xi32, #tpu.memory_space<vmem>> -> memref<1x128xi32, #tpu.memory_space<vmem>>
      %dma_start3A_130 = tpu.memref_squeeze %dma_start3A_129 : memref<1x128xi32, #tpu.memory_space<vmem>> -> memref<128xi32, #tpu.memory_space<vmem>>
      %dma_start3A_131 = arith.constant 0 : i32
      %dma_start3A_132 = arith.constant 0 : i32
      %dma_start3A_133 = tpu.memref_slice %arg3[%dma_start3A_131, %dma_start3A_132] : memref<1007616x32xf32, #tpu.memory_space<hbm>> -> memref<1007616x32xf32, #tpu.memory_space<hbm>>
      tpu.enqueue_indirect_dma source(%dma_start3A_133 : memref<1007616x32xf32, #tpu.memory_space<hbm>>) target(%dma_start3A_127 : memref<128x32xf32, #tpu.memory_space<vmem>>) offsets(%dma_start3A_130 : memref<128xi32, #tpu.memory_space<vmem>>) semaphore(%arg7 : memref<!tpu.dma_semaphore, #tpu.memory_space<semaphore_mem>>)
      %mul3A_134 = arith.constant 8 : i32
      %mul3A_135 = arith.muli %add3A_11, %mul3A_134 : i32
      %add3A_136 = arith.constant 4 : i32
      %add3A_137 = arith.addi %mul3A_135, %add3A_136 : i32
      %dma_start3A_138 = arith.constant 512 : i32
      %dma_start3A_139 = arith.constant 0 : i32
      %dma_start3A_140 = tpu.memref_slice %arg6[%dma_start3A_138, %dma_start3A_139] : memref<1024x32xf32, #tpu.memory_space<vmem>> -> memref<128x32xf32, #tpu.memory_space<vmem>>
      %dma_start3A_141 = arith.constant 0 : i32
      %dma_start3A_142 = tpu.memref_slice %arg5[%add3A_137, %dma_start3A_141] : memref<200x128xi32, #tpu.memory_space<vmem>> -> memref<1x128xi32, #tpu.memory_space<vmem>>
      %dma_start3A_143 = tpu.memref_squeeze %dma_start3A_142 : memref<1x128xi32, #tpu.memory_space<vmem>> -> memref<128xi32, #tpu.memory_space<vmem>>
      %dma_start3A_144 = arith.constant 0 : i32
      %dma_start3A_145 = arith.constant 0 : i32
      %dma_start3A_146 = tpu.memref_slice %arg3[%dma_start3A_144, %dma_start3A_145] : memref<1007616x32xf32, #tpu.memory_space<hbm>> -> memref<1007616x32xf32, #tpu.memory_space<hbm>>
      tpu.enqueue_indirect_dma source(%dma_start3A_146 : memref<1007616x32xf32, #tpu.memory_space<hbm>>) target(%dma_start3A_140 : memref<128x32xf32, #tpu.memory_space<vmem>>) offsets(%dma_start3A_143 : memref<128xi32, #tpu.memory_space<vmem>>) semaphore(%arg7 : memref<!tpu.dma_semaphore, #tpu.memory_space<semaphore_mem>>)
      %mul3A_147 = arith.constant 8 : i32
      %mul3A_148 = arith.muli %add3A_11, %mul3A_147 : i32
      %add3A_149 = arith.constant 5 : i32
      %add3A_150 = arith.addi %mul3A_148, %add3A_149 : i32
      %dma_start3A_151 = arith.constant 640 : i32
      %dma_start3A_152 = arith.constant 0 : i32
      %dma_start3A_153 = tpu.memref_slice %arg6[%dma_start3A_151, %dma_start3A_152] : memref<1024x32xf32, #tpu.memory_space<vmem>> -> memref<128x32xf32, #tpu.memory_space<vmem>>
      %dma_start3A_154 = arith.constant 0 : i32
      %dma_start3A_155 = tpu.memref_slice %arg5[%add3A_150, %dma_start3A_154] : memref<200x128xi32, #tpu.memory_space<vmem>> -> memref<1x128xi32, #tpu.memory_space<vmem>>
      %dma_start3A_156 = tpu.memref_squeeze %dma_start3A_155 : memref<1x128xi32, #tpu.memory_space<vmem>> -> memref<128xi32, #tpu.memory_space<vmem>>
      %dma_start3A_157 = arith.constant 0 : i32
      %dma_start3A_158 = arith.constant 0 : i32
      %dma_start3A_159 = tpu.memref_slice %arg3[%dma_start3A_157, %dma_start3A_158] : memref<1007616x32xf32, #tpu.memory_space<hbm>> -> memref<1007616x32xf32, #tpu.memory_space<hbm>>
      tpu.enqueue_indirect_dma source(%dma_start3A_159 : memref<1007616x32xf32, #tpu.memory_space<hbm>>) target(%dma_start3A_153 : memref<128x32xf32, #tpu.memory_space<vmem>>) offsets(%dma_start3A_156 : memref<128xi32, #tpu.memory_space<vmem>>) semaphore(%arg7 : memref<!tpu.dma_semaphore, #tpu.memory_space<semaphore_mem>>)
      %mul3A_160 = arith.constant 8 : i32
      %mul3A_161 = arith.muli %add3A_11, %mul3A_160 : i32
      %add3A_162 = arith.constant 6 : i32
      %add3A_163 = arith.addi %mul3A_161, %add3A_162 : i32
      %dma_start3A_164 = arith.constant 768 : i32
      %dma_start3A_165 = arith.constant 0 : i32
      %dma_start3A_166 = tpu.memref_slice %arg6[%dma_start3A_164, %dma_start3A_165] : memref<1024x32xf32, #tpu.memory_space<vmem>> -> memref<128x32xf32, #tpu.memory_space<vmem>>
      %dma_start3A_167 = arith.constant 0 : i32
      %dma_start3A_168 = tpu.memref_slice %arg5[%add3A_163, %dma_start3A_167] : memref<200x128xi32, #tpu.memory_space<vmem>> -> memref<1x128xi32, #tpu.memory_space<vmem>>
      %dma_start3A_169 = tpu.memref_squeeze %dma_start3A_168 : memref<1x128xi32, #tpu.memory_space<vmem>> -> memref<128xi32, #tpu.memory_space<vmem>>
      %dma_start3A_170 = arith.constant 0 : i32
      %dma_start3A_171 = arith.constant 0 : i32
      %dma_start3A_172 = tpu.memref_slice %arg3[%dma_start3A_170, %dma_start3A_171] : memref<1007616x32xf32, #tpu.memory_space<hbm>> -> memref<1007616x32xf32, #tpu.memory_space<hbm>>
      tpu.enqueue_indirect_dma source(%dma_start3A_172 : memref<1007616x32xf32, #tpu.memory_space<hbm>>) target(%dma_start3A_166 : memref<128x32xf32, #tpu.memory_space<vmem>>) offsets(%dma_start3A_169 : memref<128xi32, #tpu.memory_space<vmem>>) semaphore(%arg7 : memref<!tpu.dma_semaphore, #tpu.memory_space<semaphore_mem>>)
      %mul3A_173 = arith.constant 8 : i32
      %mul3A_174 = arith.muli %add3A_11, %mul3A_173 : i32
      %add3A_175 = arith.constant 7 : i32
      %add3A_176 = arith.addi %mul3A_174, %add3A_175 : i32
      %dma_start3A_177 = arith.constant 896 : i32
      %dma_start3A_178 = arith.constant 0 : i32
      %dma_start3A_179 = tpu.memref_slice %arg6[%dma_start3A_177, %dma_start3A_178] : memref<1024x32xf32, #tpu.memory_space<vmem>> -> memref<128x32xf32, #tpu.memory_space<vmem>>
      %dma_start3A_180 = arith.constant 0 : i32
      %dma_start3A_181 = tpu.memref_slice %arg5[%add3A_176, %dma_start3A_180] : memref<200x128xi32, #tpu.memory_space<vmem>> -> memref<1x128xi32, #tpu.memory_space<vmem>>
      %dma_start3A_182 = tpu.memref_squeeze %dma_start3A_181 : memref<1x128xi32, #tpu.memory_space<vmem>> -> memref<128xi32, #tpu.memory_space<vmem>>
      %dma_start3A_183 = arith.constant 0 : i32
      %dma_start3A_184 = arith.constant 0 : i32
      %dma_start3A_185 = tpu.memref_slice %arg3[%dma_start3A_183, %dma_start3A_184] : memref<1007616x32xf32, #tpu.memory_space<hbm>> -> memref<1007616x32xf32, #tpu.memory_space<hbm>>
      tpu.enqueue_indirect_dma source(%dma_start3A_185 : memref<1007616x32xf32, #tpu.memory_space<hbm>>) target(%dma_start3A_179 : memref<128x32xf32, #tpu.memory_space<vmem>>) offsets(%dma_start3A_182 : memref<128xi32, #tpu.memory_space<vmem>>) semaphore(%arg7 : memref<!tpu.dma_semaphore, #tpu.memory_space<semaphore_mem>>)
      %dma_wait3A = arith.constant 0 : i32
      %dma_wait3A_186 = arith.constant 0 : i32
      %dma_wait3A_187 = tpu.memref_slice %arg6[%dma_wait3A, %dma_wait3A_186] : memref<1024x32xf32, #tpu.memory_space<vmem>> -> memref<128x32xf32, #tpu.memory_space<vmem>>
      %dma_wait3A_188 = arith.constant 0 : i32
      %dma_wait3A_189 = tpu.memref_slice %arg5[%add3A_86, %dma_wait3A_188] : memref<200x128xi32, #tpu.memory_space<vmem>> -> memref<1x128xi32, #tpu.memory_space<vmem>>
      %dma_wait3A_190 = tpu.memref_squeeze %dma_wait3A_189 : memref<1x128xi32, #tpu.memory_space<vmem>> -> memref<128xi32, #tpu.memory_space<vmem>>
      %dma_wait3A_191 = arith.constant 0 : i32
      %dma_wait3A_192 = arith.constant 0 : i32
      %dma_wait3A_193 = tpu.memref_slice %arg3[%dma_wait3A_191, %dma_wait3A_192] : memref<1007616x32xf32, #tpu.memory_space<hbm>> -> memref<1007616x32xf32, #tpu.memory_space<hbm>>
      tpu.wait_indirect_dma semaphore(%arg7 : memref<!tpu.dma_semaphore, #tpu.memory_space<semaphore_mem>>) src(%dma_wait3A_193 : memref<1007616x32xf32, #tpu.memory_space<hbm>>) dst(%dma_wait3A_187 : memref<128x32xf32, #tpu.memory_space<vmem>>)
      %dma_wait3A_194 = arith.constant 128 : i32
      %dma_wait3A_195 = arith.constant 0 : i32
      %dma_wait3A_196 = tpu.memref_slice %arg6[%dma_wait3A_194, %dma_wait3A_195] : memref<1024x32xf32, #tpu.memory_space<vmem>> -> memref<128x32xf32, #tpu.memory_space<vmem>>
      %dma_wait3A_197 = arith.constant 0 : i32
      %dma_wait3A_198 = tpu.memref_slice %arg5[%add3A_98, %dma_wait3A_197] : memref<200x128xi32, #tpu.memory_space<vmem>> -> memref<1x128xi32, #tpu.memory_space<vmem>>
      %dma_wait3A_199 = tpu.memref_squeeze %dma_wait3A_198 : memref<1x128xi32, #tpu.memory_space<vmem>> -> memref<128xi32, #tpu.memory_space<vmem>>
      %dma_wait3A_200 = arith.constant 0 : i32
      %dma_wait3A_201 = arith.constant 0 : i32
      %dma_wait3A_202 = tpu.memref_slice %arg3[%dma_wait3A_200, %dma_wait3A_201] : memref<1007616x32xf32, #tpu.memory_space<hbm>> -> memref<1007616x32xf32, #tpu.memory_space<hbm>>
      tpu.wait_indirect_dma semaphore(%arg7 : memref<!tpu.dma_semaphore, #tpu.memory_space<semaphore_mem>>) src(%dma_wait3A_202 : memref<1007616x32xf32, #tpu.memory_space<hbm>>) dst(%dma_wait3A_196 : memref<128x32xf32, #tpu.memory_space<vmem>>)
      %dma_wait3A_203 = arith.constant 256 : i32
      %dma_wait3A_204 = arith.constant 0 : i32
      %dma_wait3A_205 = tpu.memref_slice %arg6[%dma_wait3A_203, %dma_wait3A_204] : memref<1024x32xf32, #tpu.memory_space<vmem>> -> memref<128x32xf32, #tpu.memory_space<vmem>>
      %dma_wait3A_206 = arith.constant 0 : i32
      %dma_wait3A_207 = tpu.memref_slice %arg5[%add3A_111, %dma_wait3A_206] : memref<200x128xi32, #tpu.memory_space<vmem>> -> memref<1x128xi32, #tpu.memory_space<vmem>>
      %dma_wait3A_208 = tpu.memref_squeeze %dma_wait3A_207 : memref<1x128xi32, #tpu.memory_space<vmem>> -> memref<128xi32, #tpu.memory_space<vmem>>
      %dma_wait3A_209 = arith.constant 0 : i32
      %dma_wait3A_210 = arith.constant 0 : i32
      %dma_wait3A_211 = tpu.memref_slice %arg3[%dma_wait3A_209, %dma_wait3A_210] : memref<1007616x32xf32, #tpu.memory_space<hbm>> -> memref<1007616x32xf32, #tpu.memory_space<hbm>>
      tpu.wait_indirect_dma semaphore(%arg7 : memref<!tpu.dma_semaphore, #tpu.memory_space<semaphore_mem>>) src(%dma_wait3A_211 : memref<1007616x32xf32, #tpu.memory_space<hbm>>) dst(%dma_wait3A_205 : memref<128x32xf32, #tpu.memory_space<vmem>>)
      %dma_wait3A_212 = arith.constant 384 : i32
      %dma_wait3A_213 = arith.constant 0 : i32
      %dma_wait3A_214 = tpu.memref_slice %arg6[%dma_wait3A_212, %dma_wait3A_213] : memref<1024x32xf32, #tpu.memory_space<vmem>> -> memref<128x32xf32, #tpu.memory_space<vmem>>
      %dma_wait3A_215 = arith.constant 0 : i32
      %dma_wait3A_216 = tpu.memref_slice %arg5[%add3A_124, %dma_wait3A_215] : memref<200x128xi32, #tpu.memory_space<vmem>> -> memref<1x128xi32, #tpu.memory_space<vmem>>
      %dma_wait3A_217 = tpu.memref_squeeze %dma_wait3A_216 : memref<1x128xi32, #tpu.memory_space<vmem>> -> memref<128xi32, #tpu.memory_space<vmem>>
      %dma_wait3A_218 = arith.constant 0 : i32
      %dma_wait3A_219 = arith.constant 0 : i32
      %dma_wait3A_220 = tpu.memref_slice %arg3[%dma_wait3A_218, %dma_wait3A_219] : memref<1007616x32xf32, #tpu.memory_space<hbm>> -> memref<1007616x32xf32, #tpu.memory_space<hbm>>
      tpu.wait_indirect_dma semaphore(%arg7 : memref<!tpu.dma_semaphore, #tpu.memory_space<semaphore_mem>>) src(%dma_wait3A_220 : memref<1007616x32xf32, #tpu.memory_space<hbm>>) dst(%dma_wait3A_214 : memref<128x32xf32, #tpu.memory_space<vmem>>)
      %dma_wait3A_221 = arith.constant 512 : i32
      %dma_wait3A_222 = arith.constant 0 : i32
      %dma_wait3A_223 = tpu.memref_slice %arg6[%dma_wait3A_221, %dma_wait3A_222] : memref<1024x32xf32, #tpu.memory_space<vmem>> -> memref<128x32xf32, #tpu.memory_space<vmem>>
      %dma_wait3A_224 = arith.constant 0 : i32
      %dma_wait3A_225 = tpu.memref_slice %arg5[%add3A_137, %dma_wait3A_224] : memref<200x128xi32, #tpu.memory_space<vmem>> -> memref<1x128xi32, #tpu.memory_space<vmem>>
      %dma_wait3A_226 = tpu.memref_squeeze %dma_wait3A_225 : memref<1x128xi32, #tpu.memory_space<vmem>> -> memref<128xi32, #tpu.memory_space<vmem>>
      %dma_wait3A_227 = arith.constant 0 : i32
      %dma_wait3A_228 = arith.constant 0 : i32
      %dma_wait3A_229 = tpu.memref_slice %arg3[%dma_wait3A_227, %dma_wait3A_228] : memref<1007616x32xf32, #tpu.memory_space<hbm>> -> memref<1007616x32xf32, #tpu.memory_space<hbm>>
      tpu.wait_indirect_dma semaphore(%arg7 : memref<!tpu.dma_semaphore, #tpu.memory_space<semaphore_mem>>) src(%dma_wait3A_229 : memref<1007616x32xf32, #tpu.memory_space<hbm>>) dst(%dma_wait3A_223 : memref<128x32xf32, #tpu.memory_space<vmem>>)
      %dma_wait3A_230 = arith.constant 640 : i32
      %dma_wait3A_231 = arith.constant 0 : i32
      %dma_wait3A_232 = tpu.memref_slice %arg6[%dma_wait3A_230, %dma_wait3A_231] : memref<1024x32xf32, #tpu.memory_space<vmem>> -> memref<128x32xf32, #tpu.memory_space<vmem>>
      %dma_wait3A_233 = arith.constant 0 : i32
      %dma_wait3A_234 = tpu.memref_slice %arg5[%add3A_150, %dma_wait3A_233] : memref<200x128xi32, #tpu.memory_space<vmem>> -> memref<1x128xi32, #tpu.memory_space<vmem>>
      %dma_wait3A_235 = tpu.memref_squeeze %dma_wait3A_234 : memref<1x128xi32, #tpu.memory_space<vmem>> -> memref<128xi32, #tpu.memory_space<vmem>>
      %dma_wait3A_236 = arith.constant 0 : i32
      %dma_wait3A_237 = arith.constant 0 : i32
      %dma_wait3A_238 = tpu.memref_slice %arg3[%dma_wait3A_236, %dma_wait3A_237] : memref<1007616x32xf32, #tpu.memory_space<hbm>> -> memref<1007616x32xf32, #tpu.memory_space<hbm>>
      tpu.wait_indirect_dma semaphore(%arg7 : memref<!tpu.dma_semaphore, #tpu.memory_space<semaphore_mem>>) src(%dma_wait3A_238 : memref<1007616x32xf32, #tpu.memory_space<hbm>>) dst(%dma_wait3A_232 : memref<128x32xf32, #tpu.memory_space<vmem>>)
      %dma_wait3A_239 = arith.constant 768 : i32
      %dma_wait3A_240 = arith.constant 0 : i32
      %dma_wait3A_241 = tpu.memref_slice %arg6[%dma_wait3A_239, %dma_wait3A_240] : memref<1024x32xf32, #tpu.memory_space<vmem>> -> memref<128x32xf32, #tpu.memory_space<vmem>>
      %dma_wait3A_242 = arith.constant 0 : i32
      %dma_wait3A_243 = tpu.memref_slice %arg5[%add3A_163, %dma_wait3A_242] : memref<200x128xi32, #tpu.memory_space<vmem>> -> memref<1x128xi32, #tpu.memory_space<vmem>>
      %dma_wait3A_244 = tpu.memref_squeeze %dma_wait3A_243 : memref<1x128xi32, #tpu.memory_space<vmem>> -> memref<128xi32, #tpu.memory_space<vmem>>
      %dma_wait3A_245 = arith.constant 0 : i32
      %dma_wait3A_246 = arith.constant 0 : i32
      %dma_wait3A_247 = tpu.memref_slice %arg3[%dma_wait3A_245, %dma_wait3A_246] : memref<1007616x32xf32, #tpu.memory_space<hbm>> -> memref<1007616x32xf32, #tpu.memory_space<hbm>>
      tpu.wait_indirect_dma semaphore(%arg7 : memref<!tpu.dma_semaphore, #tpu.memory_space<semaphore_mem>>) src(%dma_wait3A_247 : memref<1007616x32xf32, #tpu.memory_space<hbm>>) dst(%dma_wait3A_241 : memref<128x32xf32, #tpu.memory_space<vmem>>)
      %dma_wait3A_248 = arith.constant 896 : i32
      %dma_wait3A_249 = arith.constant 0 : i32
      %dma_wait3A_250 = tpu.memref_slice %arg6[%dma_wait3A_248, %dma_wait3A_249] : memref<1024x32xf32, #tpu.memory_space<vmem>> -> memref<128x32xf32, #tpu.memory_space<vmem>>
      %dma_wait3A_251 = arith.constant 0 : i32
      %dma_wait3A_252 = tpu.memref_slice %arg5[%add3A_176, %dma_wait3A_251] : memref<200x128xi32, #tpu.memory_space<vmem>> -> memref<1x128xi32, #tpu.memory_space<vmem>>
      %dma_wait3A_253 = tpu.memref_squeeze %dma_wait3A_252 : memref<1x128xi32, #tpu.memory_space<vmem>> -> memref<128xi32, #tpu.memory_space<vmem>>
      %dma_wait3A_254 = arith.constant 0 : i32
      %dma_wait3A_255 = arith.constant 0 : i32
      %dma_wait3A_256 = tpu.memref_slice %arg3[%dma_wait3A_254, %dma_wait3A_255] : memref<1007616x32xf32, #tpu.memory_space<hbm>> -> memref<1007616x32xf32, #tpu.memory_space<hbm>>
      tpu.wait_indirect_dma semaphore(%arg7 : memref<!tpu.dma_semaphore, #tpu.memory_space<semaphore_mem>>) src(%dma_wait3A_256 : memref<1007616x32xf32, #tpu.memory_space<hbm>>) dst(%dma_wait3A_250 : memref<128x32xf32, #tpu.memory_space<vmem>>)
      %mul3A_257 = arith.constant 2 : i32
      %mul3A_258 = arith.muli %mul3A_257, %select_n3A_42 : i32
      "tpu.region"() ({
        %run_scoped3A = tpu.sem_alloc : memref<!tpu.dma_semaphore, #tpu.memory_space<semaphore_mem>>
        %dma_start3A_263 = arith.constant 0 : i32
        %dma_start3A_264 = arith.constant 0 : i32
        %dma_start3A_265 = tpu.memref_slice %arg6[%dma_start3A_263, %dma_start3A_264] : memref<1024x32xf32, #tpu.memory_space<vmem>> -> memref<512x32xf32, #tpu.memory_space<vmem>>
        %dma_start3A_266 = arith.constant 0 : i32
        %dma_start3A_267 = arith.constant 0 : i32
        %dma_start3A_268 = tpu.memref_slice %arg4[%select_n3A_66, %select_n3A_82, %dma_start3A_266, %mul3A_258, %dma_start3A_267] : memref<50x8x512x4x32xf32, #tpu.memory_space<hbm>> -> memref<1x1x512x1x32xf32, #tpu.memory_space<hbm>>
        %dma_start3A_269 = tpu.memref_squeeze %dma_start3A_268 : memref<1x1x512x1x32xf32, #tpu.memory_space<hbm>> -> memref<512x32xf32, #tpu.memory_space<hbm>>
        %dma_start3A_270 = arith.constant 0 : i32
        %dma_start3A_271 = arith.constant 0 : i32
        %dma_start3A_272 = tpu.memref_slice %arg4[%select_n3A_66, %select_n3A_82, %dma_start3A_270, %mul3A_258, %dma_start3A_271] : memref<50x8x512x4x32xf32, #tpu.memory_space<hbm>> -> memref<1x1x512x1x32xf32, #tpu.memory_space<hbm>>
        %dma_start3A_273 = tpu.memref_squeeze %dma_start3A_272 : memref<1x1x512x1x32xf32, #tpu.memory_space<hbm>> -> memref<512x32xf32, #tpu.memory_space<hbm>>
        %dma_start3A_274 = arith.constant 0 : i32
        %dma_start3A_275 = arith.constant 0 : i32
        %dma_start3A_276 = tpu.memref_slice %arg6[%dma_start3A_274, %dma_start3A_275] : memref<1024x32xf32, #tpu.memory_space<vmem>> -> memref<512x32xf32, #tpu.memory_space<vmem>>
        tpu.enqueue_dma source(%dma_start3A_276 : memref<512x32xf32, #tpu.memory_space<vmem>>) target(%dma_start3A_273 : memref<512x32xf32, #tpu.memory_space<hbm>>) target_semaphore(%run_scoped3A : memref<!tpu.dma_semaphore, #tpu.memory_space<semaphore_mem>>)
        %dma_wait3A_277 = arith.constant 0 : i32
        %dma_wait3A_278 = arith.constant 0 : i32
        %dma_wait3A_279 = tpu.memref_slice %arg6[%dma_wait3A_277, %dma_wait3A_278] : memref<1024x32xf32, #tpu.memory_space<vmem>> -> memref<512x32xf32, #tpu.memory_space<vmem>>
        %dma_wait3A_280 = arith.constant 0 : i32
        %dma_wait3A_281 = arith.constant 0 : i32
        %dma_wait3A_282 = tpu.memref_slice %arg4[%select_n3A_66, %select_n3A_82, %dma_wait3A_280, %mul3A_258, %dma_wait3A_281] : memref<50x8x512x4x32xf32, #tpu.memory_space<hbm>> -> memref<1x1x512x1x32xf32, #tpu.memory_space<hbm>>
        %dma_wait3A_283 = tpu.memref_squeeze %dma_wait3A_282 : memref<1x1x512x1x32xf32, #tpu.memory_space<hbm>> -> memref<512x32xf32, #tpu.memory_space<hbm>>
        %dma_wait3A_284 = arith.constant 0 : i32
        %dma_wait3A_285 = arith.constant 0 : i32
        %dma_wait3A_286 = tpu.memref_slice %arg4[%select_n3A_66, %select_n3A_82, %dma_wait3A_284, %mul3A_258, %dma_wait3A_285] : memref<50x8x512x4x32xf32, #tpu.memory_space<hbm>> -> memref<1x1x512x1x32xf32, #tpu.memory_space<hbm>>
        %dma_wait3A_287 = tpu.memref_squeeze %dma_wait3A_286 : memref<1x1x512x1x32xf32, #tpu.memory_space<hbm>> -> memref<512x32xf32, #tpu.memory_space<hbm>>
        %dma_wait3A_288 = arith.constant 0 : i32
        %dma_wait3A_289 = arith.constant 0 : i32
        %dma_wait3A_290 = tpu.memref_slice %arg6[%dma_wait3A_288, %dma_wait3A_289] : memref<1024x32xf32, #tpu.memory_space<vmem>> -> memref<512x32xf32, #tpu.memory_space<vmem>>
        tpu.wait_dma2 semaphore(%run_scoped3A : memref<!tpu.dma_semaphore, #tpu.memory_space<semaphore_mem>>) src(%dma_wait3A_290 : memref<512x32xf32, #tpu.memory_space<vmem>>) dst(%dma_wait3A_287 : memref<512x32xf32, #tpu.memory_space<hbm>>)
        tpu.yield
      }) : () -> ()
      %mul3A_259 = arith.constant 2 : i32
      %mul3A_260 = arith.muli %mul3A_259, %select_n3A_42 : i32
      %add3A_261 = arith.constant 1 : i32
      %add3A_262 = arith.addi %mul3A_260, %add3A_261 : i32
      "tpu.region"() ({
        %run_scoped3A = tpu.sem_alloc : memref<!tpu.dma_semaphore, #tpu.memory_space<semaphore_mem>>
        %dma_start3A_263 = arith.constant 512 : i32
        %dma_start3A_264 = arith.constant 0 : i32
        %dma_start3A_265 = tpu.memref_slice %arg6[%dma_start3A_263, %dma_start3A_264] : memref<1024x32xf32, #tpu.memory_space<vmem>> -> memref<512x32xf32, #tpu.memory_space<vmem>>
        %dma_start3A_266 = arith.constant 0 : i32
        %dma_start3A_267 = arith.constant 0 : i32
        %dma_start3A_268 = tpu.memref_slice %arg4[%select_n3A_66, %select_n3A_82, %dma_start3A_266, %add3A_262, %dma_start3A_267] : memref<50x8x512x4x32xf32, #tpu.memory_space<hbm>> -> memref<1x1x512x1x32xf32, #tpu.memory_space<hbm>>
        %dma_start3A_269 = tpu.memref_squeeze %dma_start3A_268 : memref<1x1x512x1x32xf32, #tpu.memory_space<hbm>> -> memref<512x32xf32, #tpu.memory_space<hbm>>
        %dma_start3A_270 = arith.constant 0 : i32
        %dma_start3A_271 = arith.constant 0 : i32
        %dma_start3A_272 = tpu.memref_slice %arg4[%select_n3A_66, %select_n3A_82, %dma_start3A_270, %add3A_262, %dma_start3A_271] : memref<50x8x512x4x32xf32, #tpu.memory_space<hbm>> -> memref<1x1x512x1x32xf32, #tpu.memory_space<hbm>>
        %dma_start3A_273 = tpu.memref_squeeze %dma_start3A_272 : memref<1x1x512x1x32xf32, #tpu.memory_space<hbm>> -> memref<512x32xf32, #tpu.memory_space<hbm>>
        %dma_start3A_274 = arith.constant 512 : i32
        %dma_start3A_275 = arith.constant 0 : i32
        %dma_start3A_276 = tpu.memref_slice %arg6[%dma_start3A_274, %dma_start3A_275] : memref<1024x32xf32, #tpu.memory_space<vmem>> -> memref<512x32xf32, #tpu.memory_space<vmem>>
        tpu.enqueue_dma source(%dma_start3A_276 : memref<512x32xf32, #tpu.memory_space<vmem>>) target(%dma_start3A_273 : memref<512x32xf32, #tpu.memory_space<hbm>>) target_semaphore(%run_scoped3A : memref<!tpu.dma_semaphore, #tpu.memory_space<semaphore_mem>>)
        %dma_wait3A_277 = arith.constant 512 : i32
        %dma_wait3A_278 = arith.constant 0 : i32
        %dma_wait3A_279 = tpu.memref_slice %arg6[%dma_wait3A_277, %dma_wait3A_278] : memref<1024x32xf32, #tpu.memory_space<vmem>> -> memref<512x32xf32, #tpu.memory_space<vmem>>
        %dma_wait3A_280 = arith.constant 0 : i32
        %dma_wait3A_281 = arith.constant 0 : i32
        %dma_wait3A_282 = tpu.memref_slice %arg4[%select_n3A_66, %select_n3A_82, %dma_wait3A_280, %add3A_262, %dma_wait3A_281] : memref<50x8x512x4x32xf32, #tpu.memory_space<hbm>> -> memref<1x1x512x1x32xf32, #tpu.memory_space<hbm>>
        %dma_wait3A_283 = tpu.memref_squeeze %dma_wait3A_282 : memref<1x1x512x1x32xf32, #tpu.memory_space<hbm>> -> memref<512x32xf32, #tpu.memory_space<hbm>>
        %dma_wait3A_284 = arith.constant 0 : i32
        %dma_wait3A_285 = arith.constant 0 : i32
        %dma_wait3A_286 = tpu.memref_slice %arg4[%select_n3A_66, %select_n3A_82, %dma_wait3A_284, %add3A_262, %dma_wait3A_285] : memref<50x8x512x4x32xf32, #tpu.memory_space<hbm>> -> memref<1x1x512x1x32xf32, #tpu.memory_space<hbm>>
        %dma_wait3A_287 = tpu.memref_squeeze %dma_wait3A_286 : memref<1x1x512x1x32xf32, #tpu.memory_space<hbm>> -> memref<512x32xf32, #tpu.memory_space<hbm>>
        %dma_wait3A_288 = arith.constant 512 : i32
        %dma_wait3A_289 = arith.constant 0 : i32
        %dma_wait3A_290 = tpu.memref_slice %arg6[%dma_wait3A_288, %dma_wait3A_289] : memref<1024x32xf32, #tpu.memory_space<vmem>> -> memref<512x32xf32, #tpu.memory_space<vmem>>
        tpu.wait_dma2 semaphore(%run_scoped3A : memref<!tpu.dma_semaphore, #tpu.memory_space<semaphore_mem>>) src(%dma_wait3A_290 : memref<512x32xf32, #tpu.memory_space<vmem>>) dst(%dma_wait3A_287 : memref<512x32xf32, #tpu.memory_space<hbm>>)
        tpu.yield
      }) : () -> ()
    }
    %scan3A_6 = arith.constant 25 : i32
    return
  }
}

module attributes {stable_mosaic.version = 14 : i64} {
  func.func @body(%arg0: i32, %arg1: memref<32x8192xf32, #tpu.memory_space<vmem>>, %arg2: memref<128x128xf32, #tpu.memory_space<vmem>>, %arg3: memref<2048x128xf32, #tpu.memory_space<vmem>>) attributes {dimension_semantics = [#tpu.dimension_semantics<arbitrary>], iteration_bounds = array<i64: 123>, scalar_prefetch = 0 : i64, scratch_operands = 0 : i64, tpu.core_type = #tpu.core_type<tc>, window_params = [{transform_indices = @transform_0, window_bounds = array<i64: 32, 8192>}, {pipeline_mode = #tpu.pipeline_mode<synchronous>, transform_indices = @transform_1, window_bounds = array<i64: 128, 128>}, {transform_indices = @transform_2, window_bounds = array<i64: 2048, 128>}]} {
    %get3A = arith.constant 0 : index
    %get3A_0 = arith.constant 0 : index
    %get3A_1 = vector.load %arg1[%get3A, %get3A_0] : memref<32x8192xf32, #tpu.memory_space<vmem>>, vector<32x8192xf32>
    %slice3A = vector.extract_strided_slice %get3A_1 {offsets = [0, 0], sizes = [32, 2048], strides = [1, 1]} : vector<32x8192xf32> to vector<32x2048xf32>
    %get3A_2 = arith.constant 0 : index
    %get3A_3 = arith.constant 0 : index
    %get3A_4 = vector.load %arg2[%get3A_2, %get3A_3] : memref<128x128xf32, #tpu.memory_space<vmem>>, vector<32x128xf32>
    %dot_general3A = arith.constant dense<0.000000e+00> : vector<2048x128xf32>
    %dot_general3A_5 = tpu.matmul %slice3A, %get3A_4, %dot_general3A {dimension_numbers = #tpu.dot_dimension_numbers<[0], [0], [1], [1], [0, 1, 1, 1], [], []>, transpose_lhs_hint = true} : vector<32x2048xf32>, vector<32x128xf32>, vector<2048x128xf32> -> vector<2048x128xf32>
    %slice3A_6 = vector.extract_strided_slice %get3A_1 {offsets = [0, 2048], sizes = [32, 2048], strides = [1, 1]} : vector<32x8192xf32> to vector<32x2048xf32>
    %get3A_7 = arith.constant 32 : index
    %get3A_8 = arith.constant 0 : index
    %get3A_9 = vector.load %arg2[%get3A_7, %get3A_8] : memref<128x128xf32, #tpu.memory_space<vmem>>, vector<32x128xf32>
    %dot_general3A_10 = arith.constant dense<0.000000e+00> : vector<2048x128xf32>
    %dot_general3A_11 = tpu.matmul %slice3A_6, %get3A_9, %dot_general3A_10 {dimension_numbers = #tpu.dot_dimension_numbers<[0], [0], [1], [1], [0, 1, 1, 1], [], []>, transpose_lhs_hint = true} : vector<32x2048xf32>, vector<32x128xf32>, vector<2048x128xf32> -> vector<2048x128xf32>
    %add3A = arith.addf %dot_general3A_5, %dot_general3A_11 : vector<2048x128xf32>
    %slice3A_12 = vector.extract_strided_slice %get3A_1 {offsets = [0, 4096], sizes = [32, 2048], strides = [1, 1]} : vector<32x8192xf32> to vector<32x2048xf32>
    %get3A_13 = arith.constant 64 : index
    %get3A_14 = arith.constant 0 : index
    %get3A_15 = vector.load %arg2[%get3A_13, %get3A_14] : memref<128x128xf32, #tpu.memory_space<vmem>>, vector<32x128xf32>
    %dot_general3A_16 = arith.constant dense<0.000000e+00> : vector<2048x128xf32>
    %dot_general3A_17 = tpu.matmul %slice3A_12, %get3A_15, %dot_general3A_16 {dimension_numbers = #tpu.dot_dimension_numbers<[0], [0], [1], [1], [0, 1, 1, 1], [], []>, transpose_lhs_hint = true} : vector<32x2048xf32>, vector<32x128xf32>, vector<2048x128xf32> -> vector<2048x128xf32>
    %add3A_18 = arith.addf %add3A, %dot_general3A_17 : vector<2048x128xf32>
    %slice3A_19 = vector.extract_strided_slice %get3A_1 {offsets = [0, 6144], sizes = [32, 2048], strides = [1, 1]} : vector<32x8192xf32> to vector<32x2048xf32>
    %get3A_20 = arith.constant 96 : index
    %get3A_21 = arith.constant 0 : index
    %get3A_22 = vector.load %arg2[%get3A_20, %get3A_21] : memref<128x128xf32, #tpu.memory_space<vmem>>, vector<32x128xf32>
    %dot_general3A_23 = arith.constant dense<0.000000e+00> : vector<2048x128xf32>
    %dot_general3A_24 = tpu.matmul %slice3A_19, %get3A_22, %dot_general3A_23 {dimension_numbers = #tpu.dot_dimension_numbers<[0], [0], [1], [1], [0, 1, 1, 1], [], []>, transpose_lhs_hint = true} : vector<32x2048xf32>, vector<32x128xf32>, vector<2048x128xf32> -> vector<2048x128xf32>
    %add3A_25 = arith.addf %add3A_18, %dot_general3A_24 : vector<2048x128xf32>
    %swap3A = arith.constant 0 : index
    %swap3A_26 = arith.constant 0 : index
    %swap3A_27 = vector.load %arg3[%swap3A, %swap3A_26] : memref<2048x128xf32, #tpu.memory_space<vmem>>, vector<2048x128xf32>
    tpu.vector_store %arg3[%swap3A, %swap3A_26], %add3A_25 {strides = array<i32>} : memref<2048x128xf32, #tpu.memory_space<vmem>>, vector<2048x128xf32>,
    return
  }
  func.func @transform_0(%arg0: i32) -> (i32, i32) {
    %c0_i32 = arith.constant 0 : i32
    %c0_i32_0 = arith.constant 0 : i32
    return %c0_i32, %arg0 : i32, i32
  }
  func.func @transform_1(%arg0: i32) -> (i32, i32) {
    %c0_i32 = arith.constant 0 : i32
    %c0_i32_0 = arith.constant 0 : i32
    %c0_i32_1 = arith.constant 0 : i32
    return %c0_i32, %c0_i32_0 : i32, i32
  }
  func.func @transform_2(%arg0: i32) -> (i32, i32) {
    %c0_i32 = arith.constant 0 : i32
    %c0_i32_0 = arith.constant 0 : i32
    return %arg0, %c0_i32 : i32, i32
  }
}

module attributes {stable_mosaic.version = 14 : i64} {
  func.func @body(%arg0: i32, %arg1: i32, %arg2: memref<512x128xf32, #tpu.memory_space<vmem>>, %arg3: memref<128x128xf32, #tpu.memory_space<vmem>>, %arg4: memref<32x32xf32, #tpu.memory_space<vmem>>, %arg5: memref<32x128xf32, #tpu.memory_space<vmem>>, %arg6: memref<1x32x2048xf32, #tpu.memory_space<vmem>>) attributes {dimension_semantics = [#tpu.dimension_semantics<arbitrary>, #tpu.dimension_semantics<arbitrary>], iteration_bounds = array<i64: 50, 8>, scalar_prefetch = 0 : i64, scratch_operands = 0 : i64, tpu.core_type = #tpu.core_type<tc>, window_params = [{transform_indices = @transform_0, window_bounds = array<i64: 512, 128>}, {pipeline_mode = #tpu.pipeline_mode<synchronous>, transform_indices = @transform_1, window_bounds = array<i64: 128, 128>}, {pipeline_mode = #tpu.pipeline_mode<synchronous>, transform_indices = @transform_2, window_bounds = array<i64: 32, 32>}, {pipeline_mode = #tpu.pipeline_mode<synchronous>, transform_indices = @transform_3, window_bounds = array<i64: 32, 128>}, {transform_indices = @transform_4, window_bounds = array<i64: 1, 32, 2048>}]} {
    %get3A = arith.constant 0 : index
    %get3A_0 = arith.constant 0 : index
    %get3A_1 = vector.load %arg2[%get3A, %get3A_0] : memref<512x128xf32, #tpu.memory_space<vmem>>, vector<512x128xf32>
    %get3A_2 = arith.constant 0 : index
    %get3A_3 = arith.constant 0 : index
    %get3A_4 = vector.load %arg3[%get3A_2, %get3A_3] : memref<128x128xf32, #tpu.memory_space<vmem>>, vector<128x128xf32>
    %get3A_5 = arith.constant 0 : index
    %get3A_6 = arith.constant 0 : index
    %get3A_7 = vector.load %arg4[%get3A_5, %get3A_6] : memref<32x32xf32, #tpu.memory_space<vmem>>, vector<32x32xf32>
    %get3A_8 = arith.constant 0 : index
    %get3A_9 = arith.constant 0 : index
    %get3A_10 = vector.load %arg5[%get3A_8, %get3A_9] : memref<32x128xf32, #tpu.memory_space<vmem>>, vector<32x128xf32>
    %slice3A = vector.extract_strided_slice %get3A_10 {offsets = [0, 0], sizes = [32, 1], strides = [1, 1]} : vector<32x128xf32> to vector<32x1xf32>
    %dot_general3A = arith.constant dense<0.000000e+00> : vector<512x128xf32>
    %dot_general3A_11 = tpu.matmul %get3A_1, %get3A_4, %dot_general3A {dimension_numbers = #tpu.dot_dimension_numbers<[1], [0], [0], [1], [0, 0, 1, 1], [], []>, transpose_lhs_hint = false} : vector<512x128xf32>, vector<128x128xf32>, vector<512x128xf32> -> vector<512x128xf32>
    %mul3A = arith.mulf %get3A_1, %get3A_1 : vector<512x128xf32>
    %dot_general3A_12 = arith.constant dense<0.000000e+00> : vector<512x128xf32>
    %dot_general3A_13 = tpu.matmul %mul3A, %get3A_4, %dot_general3A_12 {dimension_numbers = #tpu.dot_dimension_numbers<[1], [0], [0], [1], [0, 0, 1, 1], [], []>, transpose_lhs_hint = false} : vector<512x128xf32>, vector<128x128xf32>, vector<512x128xf32> -> vector<512x128xf32>
    %mul3A_14 = arith.constant 3.125000e-02 : f32
    %mul3A_15 = vector.broadcast %mul3A_14 : f32 to vector<512x128xf32>
    %mul3A_16 = arith.mulf %dot_general3A_11, %mul3A_15 : vector<512x128xf32>
    %mul3A_17 = arith.constant 3.125000e-02 : f32
    %mul3A_18 = vector.broadcast %mul3A_17 : f32 to vector<512x128xf32>
    %mul3A_19 = arith.mulf %dot_general3A_13, %mul3A_18 : vector<512x128xf32>
    %mul3A_20 = arith.mulf %mul3A_16, %mul3A_16 : vector<512x128xf32>
    %sub3A = arith.subf %mul3A_19, %mul3A_20 : vector<512x128xf32>
    %add3A = arith.constant 9.99999974E-6 : f32
    %add3A_21 = vector.broadcast %add3A : f32 to vector<512x128xf32>
    %add3A_22 = arith.addf %sub3A, %add3A_21 : vector<512x128xf32>
    %rsqrt3A = math.rsqrt %add3A_22 : vector<512x128xf32>
    %sub3A_23 = arith.subf %get3A_1, %mul3A_16 : vector<512x128xf32>
    %mul3A_24 = arith.mulf %sub3A_23, %rsqrt3A : vector<512x128xf32>
    %slice3A_25 = vector.extract_strided_slice %mul3A_24 {offsets = [0, 0], sizes = [512, 32], strides = [1, 1]} : vector<512x128xf32> to vector<512x32xf32>
    %dot_general3A_26 = arith.constant dense<0.000000e+00> : vector<32x512xf32>
    %dot_general3A_27 = tpu.matmul %get3A_7, %slice3A_25, %dot_general3A_26 {dimension_numbers = #tpu.dot_dimension_numbers<[1], [1], [0], [0], [0, 0, 1, 0], [], []>, transpose_lhs_hint = false} : vector<32x32xf32>, vector<512x32xf32>, vector<32x512xf32> -> vector<32x512xf32>
    %add3A_28 = vector.broadcast %slice3A : vector<32x1xf32> to vector<32x512xf32>
    %add3A_29 = arith.addf %dot_general3A_27, %add3A_28 : vector<32x512xf32>
    %max3A = arith.constant 0.000000e+00 : f32
    %max3A_30 = vector.broadcast %max3A : f32 to vector<32x512xf32>
    %max3A_31 = arith.maximumf %add3A_29, %max3A_30 : vector<32x512xf32>
    %swap3A = arith.constant 0 : index
    %swap3A_32 = arith.constant 0 : index
    %swap3A_33 = arith.constant 0 : index
    %swap3A_34 = vector.load %arg6[%swap3A, %swap3A_32, %swap3A_33] : memref<1x32x2048xf32, #tpu.memory_space<vmem>>, vector<1x32x512xf32>
    %swap3A_35 = vector.shape_cast %swap3A_34 : vector<1x32x512xf32> to vector<32x512xf32>
    %swap3A_36 = vector.shape_cast %max3A_31 : vector<32x512xf32> to vector<1x32x512xf32>
    tpu.vector_store %arg6[%swap3A, %swap3A_32, %swap3A_33], %swap3A_36 {strides = array<i32>} : memref<1x32x2048xf32, #tpu.memory_space<vmem>>, vector<1x32x512xf32>,
    %slice3A_37 = vector.extract_strided_slice %mul3A_24 {offsets = [0, 32], sizes = [512, 32], strides = [1, 1]} : vector<512x128xf32> to vector<512x32xf32>
    %dot_general3A_38 = arith.constant dense<0.000000e+00> : vector<32x512xf32>
    %dot_general3A_39 = tpu.matmul %get3A_7, %slice3A_37, %dot_general3A_38 {dimension_numbers = #tpu.dot_dimension_numbers<[1], [1], [0], [0], [0, 0, 1, 0], [], []>, transpose_lhs_hint = false} : vector<32x32xf32>, vector<512x32xf32>, vector<32x512xf32> -> vector<32x512xf32>
    %add3A_40 = vector.broadcast %slice3A : vector<32x1xf32> to vector<32x512xf32>
    %add3A_41 = arith.addf %dot_general3A_39, %add3A_40 : vector<32x512xf32>
    %max3A_42 = arith.constant 0.000000e+00 : f32
    %max3A_43 = vector.broadcast %max3A_42 : f32 to vector<32x512xf32>
    %max3A_44 = arith.maximumf %add3A_41, %max3A_43 : vector<32x512xf32>
    %swap3A_45 = arith.constant 0 : index
    %swap3A_46 = arith.constant 0 : index
    %swap3A_47 = arith.constant 512 : index
    %swap3A_48 = vector.load %arg6[%swap3A_45, %swap3A_46, %swap3A_47] : memref<1x32x2048xf32, #tpu.memory_space<vmem>>, vector<1x32x512xf32>
    %swap3A_49 = vector.shape_cast %swap3A_48 : vector<1x32x512xf32> to vector<32x512xf32>
    %swap3A_50 = vector.shape_cast %max3A_44 : vector<32x512xf32> to vector<1x32x512xf32>
    tpu.vector_store %arg6[%swap3A_45, %swap3A_46, %swap3A_47], %swap3A_50 {strides = array<i32>} : memref<1x32x2048xf32, #tpu.memory_space<vmem>>, vector<1x32x512xf32>,
    %slice3A_51 = vector.extract_strided_slice %mul3A_24 {offsets = [0, 64], sizes = [512, 32], strides = [1, 1]} : vector<512x128xf32> to vector<512x32xf32>
    %dot_general3A_52 = arith.constant dense<0.000000e+00> : vector<32x512xf32>
    %dot_general3A_53 = tpu.matmul %get3A_7, %slice3A_51, %dot_general3A_52 {dimension_numbers = #tpu.dot_dimension_numbers<[1], [1], [0], [0], [0, 0, 1, 0], [], []>, transpose_lhs_hint = false} : vector<32x32xf32>, vector<512x32xf32>, vector<32x512xf32> -> vector<32x512xf32>
    %add3A_54 = vector.broadcast %slice3A : vector<32x1xf32> to vector<32x512xf32>
    %add3A_55 = arith.addf %dot_general3A_53, %add3A_54 : vector<32x512xf32>
    %max3A_56 = arith.constant 0.000000e+00 : f32
    %max3A_57 = vector.broadcast %max3A_56 : f32 to vector<32x512xf32>
    %max3A_58 = arith.maximumf %add3A_55, %max3A_57 : vector<32x512xf32>
    %swap3A_59 = arith.constant 0 : index
    %swap3A_60 = arith.constant 0 : index
    %swap3A_61 = arith.constant 1024 : index
    %swap3A_62 = vector.load %arg6[%swap3A_59, %swap3A_60, %swap3A_61] : memref<1x32x2048xf32, #tpu.memory_space<vmem>>, vector<1x32x512xf32>
    %swap3A_63 = vector.shape_cast %swap3A_62 : vector<1x32x512xf32> to vector<32x512xf32>
    %swap3A_64 = vector.shape_cast %max3A_58 : vector<32x512xf32> to vector<1x32x512xf32>
    tpu.vector_store %arg6[%swap3A_59, %swap3A_60, %swap3A_61], %swap3A_64 {strides = array<i32>} : memref<1x32x2048xf32, #tpu.memory_space<vmem>>, vector<1x32x512xf32>,
    %slice3A_65 = vector.extract_strided_slice %mul3A_24 {offsets = [0, 96], sizes = [512, 32], strides = [1, 1]} : vector<512x128xf32> to vector<512x32xf32>
    %dot_general3A_66 = arith.constant dense<0.000000e+00> : vector<32x512xf32>
    %dot_general3A_67 = tpu.matmul %get3A_7, %slice3A_65, %dot_general3A_66 {dimension_numbers = #tpu.dot_dimension_numbers<[1], [1], [0], [0], [0, 0, 1, 0], [], []>, transpose_lhs_hint = false} : vector<32x32xf32>, vector<512x32xf32>, vector<32x512xf32> -> vector<32x512xf32>
    %add3A_68 = vector.broadcast %slice3A : vector<32x1xf32> to vector<32x512xf32>
    %add3A_69 = arith.addf %dot_general3A_67, %add3A_68 : vector<32x512xf32>
    %max3A_70 = arith.constant 0.000000e+00 : f32
    %max3A_71 = vector.broadcast %max3A_70 : f32 to vector<32x512xf32>
    %max3A_72 = arith.maximumf %add3A_69, %max3A_71 : vector<32x512xf32>
    %swap3A_73 = arith.constant 0 : index
    %swap3A_74 = arith.constant 0 : index
    %swap3A_75 = arith.constant 1536 : index
    %swap3A_76 = vector.load %arg6[%swap3A_73, %swap3A_74, %swap3A_75] : memref<1x32x2048xf32, #tpu.memory_space<vmem>>, vector<1x32x512xf32>
    %swap3A_77 = vector.shape_cast %swap3A_76 : vector<1x32x512xf32> to vector<32x512xf32>
    %swap3A_78 = vector.shape_cast %max3A_72 : vector<32x512xf32> to vector<1x32x512xf32>
    tpu.vector_store %arg6[%swap3A_73, %swap3A_74, %swap3A_75], %swap3A_78 {strides = array<i32>} : memref<1x32x2048xf32, #tpu.memory_space<vmem>>, vector<1x32x512xf32>,
    return
  }
  func.func @transform_0(%arg0: i32, %arg1: i32) -> (i32, i32) {
    %mul3A = arith.constant 8 : i32
    %mul3A_0 = arith.muli %arg0, %mul3A : i32
    %add3A = arith.addi %mul3A_0, %arg1 : i32
    %c0_i32 = arith.constant 0 : i32
    %c0_i32_1 = arith.constant 0 : i32
    return %add3A, %c0_i32 : i32, i32
  }
  func.func @transform_1(%arg0: i32, %arg1: i32) -> (i32, i32) {
    %c0_i32 = arith.constant 0 : i32
    %c0_i32_0 = arith.constant 0 : i32
    %c0_i32_1 = arith.constant 0 : i32
    return %c0_i32, %c0_i32_0 : i32, i32
  }
  func.func @transform_2(%arg0: i32, %arg1: i32) -> (i32, i32) {
    %c0_i32 = arith.constant 0 : i32
    %c0_i32_0 = arith.constant 0 : i32
    %c0_i32_1 = arith.constant 0 : i32
    return %c0_i32, %c0_i32_0 : i32, i32
  }
  func.func @transform_3(%arg0: i32, %arg1: i32) -> (i32, i32) {
    %c0_i32 = arith.constant 0 : i32
    %c0_i32_0 = arith.constant 0 : i32
    %c0_i32_1 = arith.constant 0 : i32
    return %c0_i32, %c0_i32_0 : i32, i32
  }
  func.func @transform_4(%arg0: i32, %arg1: i32) -> (i32, i32, i32) {
    %c0_i32 = arith.constant 0 : i32
    %c0_i32_0 = arith.constant 0 : i32
    return %arg0, %c0_i32, %arg1 : i32, i32, i32
  }
}

</mosaic_0001>

<sc_bundles>
// kernel: kernel.5.cloned.1.call-start
scs
__scs_entry_jumppad:
0x0: {  	(pc) =	sbr.rel $0x88, $3  }
0x1: {  	(tag) =	ssettag $0x0;
	lr =	simm.s32 $0x1  }
0x2: {  	[smem:$0x3F9D] =	sst lr;
	_ =	strace $0xD0000000  }
0x3: {  	_ = 	snop  }
0x4: {  	_ = 	snop  }
0x5: {  	_ = 	snop  }
0x6: {  	_ = 	snop  }
0x7: {  	_ = 	snop  }
__scs_overlays_trampoline_lowered:
0x8: {  	[smem:$0x3FAC] =	sst s0  }
0x9: {  	[smem:$0x3FAD] =	sst s1  }
0xa: {  	[smem:$0x3FAE] =	sst s2  }
0xb: {  	[smem:$0x3FAF] =	sst s3  }
0xc: {  	[smem:$0x3FB0] =	sst s4  }
0xd: {  	[smem:$0x3FB1] =	sst s5  }
0xe: {  	[smem:$0x3FB2] =	sst s6  }
0xf: {  	[smem:$0x3FB3] =	sst s7  }
0x10: {  	[smem:$0x3FB4] =	sst s8  }
0x11: {  	[smem:$0x3FB5] =	sst s9;
	s0 =	simm.s32 @!p0 $0x0  }
0x12: {  	s1 =	sld [smem:$0x3F9B];
	s0 =	simm.s32 @p0 $0x1  }
0x13: {  	[smem:$0x3FB6] =	sst s0;
	s0 =	simm.s32 @!p1 $0x0  }
0x14: {  	s2 =	sld [smem:$0x3F9A];
	s0 =	simm.s32 @p1 $0x1  }
0x15: {  	[smem:$0x3FB7] =	sst s0;
	s0 =	simm.s32 @!p2 $0x0  }
0x16: {  	s3 =	sld [smem:$0x3FDB];
	s0 =	simm.s32 @p2 $0x1  }
0x17: {  	s4 =	simm.s32 $0x1BF5;
	[smem:$0x3FB9] =	sst s0  }
0x18: {  	s0 =	sld [smem:$0x3F9C];
	_ =	swait.ge [sflag:s4], $0x0  }
0x19: {  	s7 =	sld [smem:$0x3F9D]  }
0x1a: {  	s8 =	sadd.s32 $0xFFFFE003, lr  }
0x1b: {  	s9 =	sadd.s32 $0xFFFFFEF7, lr;
	s5 =	simm.s32 $0xFFFFFFFF;
	p2 =	slt.u32 s8, $0xFFFFF086  }
0x1c: {  	p1 =	slt.u32 s9, $0xF7A;
	s5 =	simm.s32 @!p2 $0x0  }
0x1d: {  	s5 =	simm.s32 @p1 $0x1;
	p0 =	seq.s32 s7, s2  }
0x1e: {  	s7 =	smul.u32 @!p0 $0xF7A, s2;
	p2 =	seq.s32 @!p0 s5, $0x0  }
0x1f: {  	s9 =	smul.u32 $0xF7A, s1;
	s8 =	simm.s32 @!p0 $0x1BF5;
	p2 =	por !p2, p0  }
0x20: {  	[sflag:s8] =	ssyncset.s32 @!p0 $0xFFFFF086;
	s6 =	sadd.s32 @!p0 s3, s7;
	s7 =	simm.s32 @!p0 $0x108  }
0x21: {  	s3 =	sadd.s32 s3, s9;
	s6 =	sadd.s32 @!p0 $0x88, s6;
	s7 =	simm.s32 @p2 $0x1082  }
0x22: {  	[simem:s7], [sflag:s8] =	dma.local @!p0 [hbm:s6], $0xF7A  }
0x23: {  	s9 =	sor.u32 $0xD0000000, s2;
	s6 =	simm.s32 $0x108;
	_ =	swait.ge @!p0 [sflag:s8], $0x0  }
0x24: {  	s3 =	sadd.s32 $0x88, s3;
	s6 =	simm.s32 @!p1 $0x1082;
	[sflag:s4] =	ssyncset.s32 $0xFFFFF086  }
0x25: {  	[simem:s6], [sflag:s4] =	dma.local [hbm:s3], $0xF7A  }
0x26: {  	[smem:$0x3F9D] =	sst s1;
	(tag) =	ssettag s2;
	_ =	strace s9  }
0x27: {  	s1 =	sld [smem:$0x3FAD]  }
0x28: {  	s2 =	sld [smem:$0x3FAE]  }
0x29: {  	s4 =	sld [smem:$0x3FB0]  }
0x2a: {  	p0 =	seq.s32 s5, $0x0;
	s5 =	sld [smem:$0x3FB1]  }
0x2b: {  	s6 =	sld [smem:$0x3FB2]  }
0x2c: {  	s7 =	sld [smem:$0x3FB3]  }
0x2d: {  	s3 =	simm.s32 $0x108;
	s8 =	sld [smem:$0x3FB4]  }
0x2e: {  	s3 =	simm.s32 @!p0 $0x1082;
	s9 =	sld [smem:$0x3FB5]  }
0x2f: {  	lr =	sadd.s32 s0, s3;
	s0 =	sld [smem:$0x3FAC]  }
0x30: {  	s3 =	sld [smem:$0x3FAF]  }
0x31: {  	[smem:$0x3FB8] =	sst s10  }
0x32: {  	s10 =	sld [smem:$0x3FB6];
	_ =	sdelay $0x3  }
0x33: {  	p0 =	seq.s32 s10, $0x1;
	s10 =	sld [smem:$0x3FB8];
	_ =	sdelay $0x3  }
0x34: {  	[smem:$0x3FB8] =	sst s10  }
0x35: {  	s10 =	sld [smem:$0x3FB7];
	_ =	sdelay $0x3  }
0x36: {  	p1 =	seq.s32 s10, $0x1;
	s10 =	sld [smem:$0x3FB8];
	_ =	sdelay $0x3  }
0x37: {  	[smem:$0x3FB8] =	sst s10  }
0x38: {  	s10 =	sld [smem:$0x3FB9]  }
0x39: {  	_ = 	snop;
	(pc) =	sbr.ind lr, $3  }
0x3a: {  	_ = 	snop  }
0x3b: {  	_ = 	snop  }
0x3c: {  	p2 =	seq.s32 s10, $0x1;
	s10 =	sld [smem:$0x3FB8]  }
0x3d: {  	_ =	shalt  }
0x3e: {  	_ =	shalt  }
0x3f: {  	_ =	shalt  }
0x40: {  	_ =	shalt  }
0x41: {  	_ =	shalt  }
0x42: {  	_ =	shalt  }
0x43: {  	_ =	shalt  }
0x44: {  	_ =	shalt  }
0x45: {  	_ =	shalt  }
0x46: {  	_ =	shalt  }
0x47: {  	_ =	shalt  }
0x48: {  	_ =	shalt  }
0x49: {  	_ =	shalt  }
0x4a: {  	_ =	shalt  }
0x4b: {  	_ =	shalt  }
0x4c: {  	_ =	shalt  }
0x4d: {  	_ =	shalt  }
0x4e: {  	_ =	shalt  }
0x4f: {  	_ =	shalt  }
0x50: {  	_ =	shalt  }
0x51: {  	_ =	shalt  }
0x52: {  	_ =	shalt  }
0x53: {  	_ =	shalt  }
0x54: {  	_ =	shalt  }
0x55: {  	_ =	shalt  }
0x56: {  	_ =	shalt  }
0x57: {  	_ =	shalt  }
0x58: {  	_ =	shalt  }
0x59: {  	_ =	shalt  }
0x5a: {  	_ =	shalt  }
0x5b: {  	_ =	shalt  }
0x5c: {  	_ =	shalt  }
0x5d: {  	_ =	shalt  }
0x5e: {  	_ =	shalt  }
0x5f: {  	_ =	shalt  }
0x60: {  	_ =	shalt  }
0x61: {  	_ =	shalt  }
0x62: {  	_ =	shalt  }
0x63: {  	_ =	shalt  }
0x64: {  	_ =	shalt  }
0x65: {  	_ =	shalt  }
0x66: {  	_ =	shalt  }
0x67: {  	_ =	shalt  }
0x68: {  	_ =	shalt  }
0x69: {  	_ =	shalt  }
0x6a: {  	_ =	shalt  }
0x6b: {  	_ =	shalt  }
0x6c: {  	_ =	shalt  }
0x6d: {  	_ =	shalt  }
0x6e: {  	_ =	shalt  }
0x6f: {  	_ =	shalt  }
0x70: {  	_ =	shalt  }
0x71: {  	_ =	shalt  }
0x72: {  	_ =	shalt  }
0x73: {  	_ =	shalt  }
0x74: {  	_ =	shalt  }
0x75: {  	_ =	shalt  }
0x76: {  	_ =	shalt  }
0x77: {  	_ =	shalt  }
0x78: {  	_ =	shalt  }
0x79: {  	_ =	shalt  }
0x7a: {  	_ =	shalt  }
0x7b: {  	_ =	shalt  }
0x7c: {  	_ =	shalt  }
0x7d: {  	_ =	shalt  }
0x7e: {  	_ =	shalt  }
0x7f: {  	_ =	shalt  }
0x80: {  	_ =	shalt  }
0x81: {  	_ =	shalt  }
0x82: {  	_ =	shalt  }
0x83: {  	_ =	shalt  }
0x84: {  	_ =	shalt  }
0x85: {  	_ =	shalt  }
0x86: {  	_ =	shalt  }
0x87: {  	_ =	shalt  }
.Lfunc_end0:
.L_simem_size_0:
called_computation_lowered:
.L_overlay_start_0:
0x88: {  	s2 =	sld [smem:$0x3FD9]  }
0x89: {  	s3 =	sld [smem:$0x3FFE];
	_ =	sdelay $0x1  }
0x8a: {  	s1 =	srdreg.scid  }
0x8b: {  	s0 =	sand.u32 $0x1, s1  }
0x8c: {  	s17 =	sshll.u32 s0, $0xA;
	s2 =	sadd.s32 s3, s2  }
0x8d: {  	s2 =	sadd.s32 s2, s17  }
0x8e: {  	[smem:$0x3FC4] =	sst s2  }
0x8f: {  	_ = 	snop  }
0x90: {  	s2 =	sld [smem:$0x3FD0];
	(tm) =	ssettm $0x1  }
0x91: {  	s18 =	sld [smem:$0x3FFB];
	_ =	sdelay $0x3  }
0x92: {  	_ =	strace s18  }
0x93: {  	s3 =	sld [smem:$0x3FFC];
	_ =	sdelay $0x3  }
0x94: {  	_ =	strace s3  }
0x95: {  	s3 =	sld [smem:$0x3FFD];
	_ =	sdelay $0x3  }
0x96: {  	_ =	strace s3  }
0x97: {  	_ =	strace $0x8FFFFFFF  }
0x98: {  	s19 =	sld [smem:$0x3FDB];
	_ =	sdelay $0x1  }
0x99: {  	s4 =	simm.s32 $_scs_section_size  }
0x9a: {  	s5 =	simm.s32 $_size__tile_overlayer_lowered;
	s6 =	simm.s32 $_tile_overlayer_lowered  }
0x9b: {  	s22 =	simm.s32 $0x1BFF;
	s21 =	sshll.u32 s6, $0x1;
	s3 =	sadd.s32 s4, s19  }
0x9c: {  	s7 =	simm.s32 $0x0;
	s20 =	sshll.u32 s5, $0x1;
	s5 =	sadd.s32 s21, s3  }
0x9d: {  	[timem:s7], [sflag:s22] =	dma.local [hbm:s5], s20  }
0x9e: {  	_ =	swait.ge [sflag:s22], s20  }
0x9f: {  	s4 =	ssub.s32 $0x0, s20;
	[sflag:s22] =	ssyncset.done $0x0  }
0xa0: {  	[sflag:s22] =	ssyncadd.s32 s4;
	_ =	sdelay $0x1  }
0xa1: {  	s23 =	simm.s32 $0x1B8B  }
0xa2: {  	_ =	swait.ge [sflag:s23], $0x1  }
0xa3: {  	[sflag:s23] =	ssyncset.done $0x0  }
0xa4: {  	s25 =	simm.s32 $0x1B8E;
	s24 =	sld [smem:$0x3FFE];
	[sflag:s23] =	ssyncadd.s32 $0xFFFFFFFF  }
0xa5: {  	s26 =	simm.s32 $execute0_lowered;
	[smem:$0x3FD2] =	sst s25  }
0xa6: {  	s5 =	sshll.u32 s26, $0x1;
	_ =	strace $0x80000046;
	[dreg:$0x1] =	wrdreg $0xFFFFFFFF  }
0xa7: {  	s28 =	simm.s32 $_size_execute0_lowered;
	s3 =	sadd.s32 s3, s5;
	[dreg:$0x0] =	wrdreg $0x0  }
0xa8: {  	s5 =	sshll.u32 s28, $0x1;
	[dreg:$0x2] =	wrdreg s3  }
0xa9: {  	[dreg:$0x3] =	wrdreg s5  }
0xaa: {  	[dreg:$0x4] =	wrdreg $0xC0  }
0xab: {  	_ =	task [dreg:s7], $0x5FFFF  }
0xac: {  	[dreg:$0x1] =	wrdreg $0xFFFFFFFF  }
0xad: {  	[dreg:$0x0] =	wrdreg $0x60  }
0xae: {  	[dreg:$0x2] =	wrdreg s2  }
0xaf: {  	[dreg:$0x3] =	wrdreg s24  }
0xb0: {  	[dreg:$0x4] =	wrdreg $0x9  }
0xb1: {  	_ =	task.clear_ibuf [dreg:s7], $0x5FFFF;
	_ =	strace $0x90000046  }
0xb2: {  	s29 =	simm.s32 $0x9;
	_ =	strace $0x80000048  }
0xb3: {  	_ =	swait.ge [sflag:s29], $0x1  }
0xb4: {  	[sflag:s29] =	ssyncadd.s32 $0xFFFFFFFF  }
0xb5: {  	_ =	strace $0x90000048  }
0xb6: {  	_ =	sfence  }
0xb7: {  	s30 =	sld [smem:$0x0];
	_ =	sdelay $0x2  }
0xb8: {  	s31 =	sshll.u32 s1, $0xD;
	s1 =	sshrl.u32 s1, $0x2  }
0xb9: {  	s3 =	sand.u32 $0x4000, s31;
	s1 =	sadd.s32 s1, s30  }
0xba: {  	s0 =	sor.u32 s3, s0;
	s1 =	sshll.u32 s1, $0x11  }
0xbb: {  	s0 =	sor.u32 s1, s0  }
0xbc: {  	s0 =	sadd.s32 $0x8F2B, s0  }
0xbd: {  	[sflag:s0] =	ssyncadd.remote.s32 $0x1  }
0xbe: {  	_ =	sfence.sel $0xFFFF  }
0xbf: {  	[dreg:$0x0] =	wrdreg $0xFFFFFFFF;
	(pc) =	sbr.abs _section_cstart, $3  }
0xc0: {  	[dreg:$0x1] =	wrdreg $0xFFFFFFFF  }
0xc1: {  	_ =	task.clear_ibuf [dreg:s7], $0x2FFFF;
	_ =	strace $0x9FFFFFFF  }
0xc2: {  	(tm) =	ssettm $0x7FFFFFFF  }
0xc3: {  	_ =	shalt  }
tec
execute0_lowered:
.L_overlay_start_1:
0x0: {  	(tag) =	ssettag $0x1  }
0x1: {  	s5 =	rddreg [dreg:$0x0]  }
0x2: {  	s0 =	srdreg.scid;
	s6 =	rddreg [dreg:$0x1]  }
0x3: {  	s2 =	simm.s32 $0x0;
	s31 =	simm.s32 $0x7400;
	s13 =	simm.s32 $0x9400  }
0x4: {  	s14 =	simm.s32 $0xA400;
	s15 =	simm.s32 $0xB400;
	s16 =	simm.s32 $0xC400  }
0x5: {  	s17 =	simm.s32 $0xD400;
	s18 =	simm.s32 $0x1;
	s4 =	sand.u32 $0x1, s0  }
0x6: {  	s19 =	simm.s32 $0x20;
	s0 =	stileid.u32;
	s8 =	smul.u32 $0xC80000, s4  }
0x7: {  	s20 =	simm.s32 $0x0;
	[smem:$0x7FF] =	sst s2;
	s10 =	smul.u32 $0xC8000, s0  }
0x8: {  	s1 =	sshll.u32 s4, $0x4;
	s9 =	ssub.s32 $0x2, s4;
	s12 =	smul.u32 $0x6400, s4  }
0x9: {  	s4 =	sadd.s32 $0x3D8C00, s6;
	s30 =	smul.u32 $0x640, s0;
	s3 =	sor.u32 s0, s1  }
0xa: {  	s1 =	rddreg [dreg:$0x2];
	_ =	strace $0x80000047;
	s11 =	sshrl.u32 s9, $0x1  }
0xb: {  	[dreg:$0x3] =	wrdreg s31;
	s7 =	smul.u32 $0xC80, s3;
	s3 =	sadd.s32 $0xC00, s6  }
0xc: {  	s29 =	ssub.s32 s9, s11;
	s9 =	simm.s32 $0x2;
	s11 =	simm.s32 $0x6400  }
0xd: {  	s6 =	smax.u32 s29, $0x1;
	s5 =	sadd.s32 s5, s7;
	s7 =	sadd.s32 s10, s8  }
0xe: {  	s8 =	sadd.s32 s30, s12;
	s10 =	simm.s32 $0x80;
	s12 =	simm.s32 $0x8400  }
.LBB2_1:
0xf: {  	[tilespmem:s2], [sflag:$0x2] =	stream.linear.gather [hbm4b:s5+s2], $0x6400, $0x38;
	[tilespmem:$0xE400] =	vst v63  }
0x10: {  	_ =	swait.ge [sflag:s9], $0x6400  }
0x11: {  	[sflag:s9] =	ssyncset.done $0x0  }
0x12: {  	s21 =	simm.s32 $0x0;
	[sflag:s9] =	ssyncadd.s32 $0xFFFF9C00  }
0x13: {  	[tilespmem:s11], [sflag:$0x1] =	stream.indirect.gather [hbm4b:s3+s10], $0x20, s21, s10, $0xb8;
	[tilespmem:$0xE400] =	vst v63  }
0x14: {  	s31 =	simm.s32 $0x80;
	s22 =	rddreg [dreg:$0x3]  }
0x15: {  	[tilespmem:s22], [sflag:$0x1] =	stream.indirect.gather [hbm4b:s3+s10], $0x20, s31, s10, $0xb8;
	[tilespmem:$0xE400] =	vst v63  }
0x16: {  	s23 =	simm.s32 $0x100  }
0x17: {  	[tilespmem:s12], [sflag:$0x1] =	stream.indirect.gather [hbm4b:s3+s10], $0x20, s23, s10, $0xb8;
	[tilespmem:$0xE400] =	vst v63  }
0x18: {  	s24 =	simm.s32 $0x180  }
0x19: {  	[tilespmem:s13], [sflag:$0x1] =	stream.indirect.gather [hbm4b:s3+s10], $0x20, s24, s10, $0xb8;
	[tilespmem:$0xE400] =	vst v63  }
0x1a: {  	s25 =	simm.s32 $0x200  }
0x1b: {  	[tilespmem:s14], [sflag:$0x1] =	stream.indirect.gather [hbm4b:s3+s10], $0x20, s25, s10, $0xb8;
	[tilespmem:$0xE400] =	vst v63  }
0x1c: {  	s26 =	simm.s32 $0x280  }
0x1d: {  	[tilespmem:s15], [sflag:$0x1] =	stream.indirect.gather [hbm4b:s3+s10], $0x20, s26, s10, $0xb8;
	[tilespmem:$0xE400] =	vst v63  }
0x1e: {  	s28 =	simm.s32 $0x300  }
0x1f: {  	[tilespmem:s16], [sflag:$0x1] =	stream.indirect.gather [hbm4b:s3+s10], $0x20, s28, s10, $0xb8;
	[tilespmem:$0xE400] =	vst v63  }
0x20: {  	s29 =	simm.s32 $0x380  }
0x21: {  	[tilespmem:s17], [sflag:$0x1] =	stream.indirect.gather [hbm4b:s3+s10], $0x20, s29, s10, $0xb8;
	[tilespmem:$0xE400] =	vst v63  }
0x22: {  	_ =	swait.ge [sflag:s18], $0x1000  }
0x23: {  	[sflag:s18] =	ssyncset.done $0x0  }
0x24: {  	[sflag:s18] =	ssyncadd.s32 $0xFFFFF000  }
0x25: {  	_ =	swait.ge [sflag:s18], $0x1000  }
0x26: {  	[sflag:s18] =	ssyncset.done $0x0  }
0x27: {  	[sflag:s18] =	ssyncadd.s32 $0xFFFFF000  }
0x28: {  	_ =	swait.ge [sflag:s18], $0x1000  }
0x29: {  	[sflag:s18] =	ssyncset.done $0x0  }
0x2a: {  	[sflag:s18] =	ssyncadd.s32 $0xFFFFF000  }
0x2b: {  	_ =	swait.ge [sflag:s18], $0x1000  }
0x2c: {  	[sflag:s18] =	ssyncset.done $0x0  }
0x2d: {  	[sflag:s18] =	ssyncadd.s32 $0xFFFFF000  }
0x2e: {  	_ =	swait.ge [sflag:s18], $0x1000  }
0x2f: {  	[sflag:s18] =	ssyncset.done $0x0  }
0x30: {  	[sflag:s18] =	ssyncadd.s32 $0xFFFFF000  }
0x31: {  	_ =	swait.ge [sflag:s18], $0x1000  }
0x32: {  	[sflag:s18] =	ssyncset.done $0x0  }
0x33: {  	[sflag:s18] =	ssyncadd.s32 $0xFFFFF000  }
0x34: {  	_ =	swait.ge [sflag:s18], $0x1000  }
0x35: {  	[sflag:s18] =	ssyncset.done $0x0  }
0x36: {  	s30 =	sand.u32 $0x7FFF0000, s7;
	s31 =	sand.u32 $0x40, s8;
	[sflag:s18] =	ssyncadd.s32 $0xFFFFF000  }
0x37: {  	s21 =	sor.u32 s31, s30;
	_ =	swait.ge [sflag:s18], $0x1000  }
0x38: {  	s21 =	sshrl.u32 s21, $0x3;
	[sflag:s18] =	ssyncset.done $0x0  }
0x39: {  	s21 =	sadd.s32 s4, s21;
	[sflag:s18] =	ssyncadd.s32 $0xFFFFF000  }
0x3a: {  	[hbm4b:s21+s19] =	stream.strided.scatter [tilespmem:s11], [sflag:$0x2], $0x4000, s10, s19, $0x38;
	[tilespmem:$0xE400] =	vst v63  }
0x3b: {  	_ =	swait.ge [sflag:s9], $0x4000  }
0x3c: {  	[sflag:s9] =	ssyncset.done $0x0  }
0x3d: {  	s21 =	sadd.s32 $0x4, s21;
	[sflag:s9] =	ssyncadd.s32 $0xFFFFC000  }
0x3e: {  	[hbm4b:s21+s19] =	stream.strided.scatter [tilespmem:s14], [sflag:$0x2], $0x4000, s10, s19, $0x38;
	[tilespmem:$0xE400] =	vst v63  }
0x3f: {  	s22 =	sadd.s32 $0x40, s8;
	s23 =	simm.s32 $0x2000;
	_ =	swait.ge [sflag:s9], $0x4000  }
0x40: {  	s24 =	simm.s32 $0x1000;
	s21 =	sadd.s32 $0x8000, s7;
	[sflag:s9] =	ssyncset.done $0x0  }
.LBB2_2:
0x41: {  	s25 =	sshra.s32 s24, $0x2;
	[sflag:s9] =	ssyncadd.s32 $0xFFFFC000  }
0x42: {  	[tilespmem:s11], [sflag:$0x1] =	stream.indirect.gather [hbm4b:s3+s10], $0x20, s25, s10, $0xb8;
	[tilespmem:$0xE400] =	vst v63  }
0x43: {  	s26 =	rddreg [dreg:$0x3];
	s28 =	sadd.s32 $0x80, s25  }
0x44: {  	[tilespmem:s26], [sflag:$0x1] =	stream.indirect.gather [hbm4b:s3+s10], $0x20, s28, s10, $0xb8;
	[tilespmem:$0xE400] =	vst v63  }
0x45: {  	s29 =	sadd.s32 $0x100, s25  }
0x46: {  	[tilespmem:s12], [sflag:$0x1] =	stream.indirect.gather [hbm4b:s3+s10], $0x20, s29, s10, $0xb8;
	[tilespmem:$0xE400] =	vst v63  }
0x47: {  	s30 =	sadd.s32 $0x180, s25  }
0x48: {  	[tilespmem:s13], [sflag:$0x1] =	stream.indirect.gather [hbm4b:s3+s10], $0x20, s30, s10, $0xb8;
	[tilespmem:$0xE400] =	vst v63  }
0x49: {  	s31 =	sadd.s32 $0x200, s25  }
0x4a: {  	[tilespmem:s14], [sflag:$0x1] =	stream.indirect.gather [hbm4b:s3+s10], $0x20, s31, s10, $0xb8;
	[tilespmem:$0xE400] =	vst v63  }
0x4b: {  	s28 =	sadd.s32 $0x280, s25  }
0x4c: {  	[tilespmem:s15], [sflag:$0x1] =	stream.indirect.gather [hbm4b:s3+s10], $0x20, s28, s10, $0xb8;
	[tilespmem:$0xE400] =	vst v63  }
0x4d: {  	s29 =	sadd.s32 $0x300, s25  }
0x4e: {  	[tilespmem:s16], [sflag:$0x1] =	stream.indirect.gather [hbm4b:s3+s10], $0x20, s29, s10, $0xb8;
	[tilespmem:$0xE400] =	vst v63  }
0x4f: {  	s25 =	sadd.s32 $0x380, s25  }
0x50: {  	[tilespmem:s17], [sflag:$0x1] =	stream.indirect.gather [hbm4b:s3+s10], $0x20, s25, s10, $0xb8;
	[tilespmem:$0xE400] =	vst v63  }
0x51: {  	_ =	swait.ge [sflag:s18], $0x1000  }
0x52: {  	[sflag:s18] =	ssyncset.done $0x0  }
0x53: {  	[sflag:s18] =	ssyncadd.s32 $0xFFFFF000  }
0x54: {  	_ =	swait.ge [sflag:s18], $0x1000  }
0x55: {  	[sflag:s18] =	ssyncset.done $0x0  }
0x56: {  	[sflag:s18] =	ssyncadd.s32 $0xFFFFF000  }
0x57: {  	_ =	swait.ge [sflag:s18], $0x1000  }
0x58: {  	[sflag:s18] =	ssyncset.done $0x0  }
0x59: {  	[sflag:s18] =	ssyncadd.s32 $0xFFFFF000  }
0x5a: {  	_ =	swait.ge [sflag:s18], $0x1000  }
0x5b: {  	[sflag:s18] =	ssyncset.done $0x0  }
0x5c: {  	[sflag:s18] =	ssyncadd.s32 $0xFFFFF000  }
0x5d: {  	_ =	swait.ge [sflag:s18], $0x1000  }
0x5e: {  	[sflag:s18] =	ssyncset.done $0x0  }
0x5f: {  	[sflag:s18] =	ssyncadd.s32 $0xFFFFF000  }
0x60: {  	_ =	swait.ge [sflag:s18], $0x1000  }
0x61: {  	[sflag:s18] =	ssyncset.done $0x0  }
0x62: {  	[sflag:s18] =	ssyncadd.s32 $0xFFFFF000  }
0x63: {  	_ =	swait.ge [sflag:s18], $0x1000  }
0x64: {  	[sflag:s18] =	ssyncset.done $0x0  }
0x65: {  	s30 =	sand.u32 $0x7FFF0000, s21;
	s31 =	sand.u32 $0x40, s22;
	[sflag:s18] =	ssyncadd.s32 $0xFFFFF000  }
0x66: {  	s25 =	sor.u32 s31, s30;
	_ =	swait.ge [sflag:s18], $0x1000  }
0x67: {  	s25 =	sshrl.u32 s25, $0x3;
	[sflag:s18] =	ssyncset.done $0x0  }
0x68: {  	s25 =	sadd.s32 s4, s25;
	[sflag:s18] =	ssyncadd.s32 $0xFFFFF000  }
0x69: {  	[hbm4b:s25+s19] =	stream.strided.scatter [tilespmem:s11], [sflag:$0x2], $0x4000, s10, s19, $0x38;
	[tilespmem:$0xE400] =	vst v63  }
0x6a: {  	p0 =	sne.s32 s23, $0x18000;
	_ =	swait.ge [sflag:s9], $0x4000  }
.Ltmp0:
0x6b: {  	[sflag:s9] =	ssyncset.done $0x0;
	(pc) =	sbr.rel @p0 .LBB2_2-.Ltmp0, $4  }
0x6c: {  	s25 =	sadd.s32 $0x4, s25;
	[sflag:s9] =	ssyncadd.s32 $0xFFFFC000  }
0x6d: {  	[hbm4b:s25+s19] =	stream.strided.scatter [tilespmem:s14], [sflag:$0x2], $0x4000, s10, s19, $0x38;
	[tilespmem:$0xE400] =	vst v63  }
0x6e: {  	s24 =	smov.u32 s23;
	s23 =	sadd.s32 $0x1000, s23;
	_ =	swait.ge [sflag:s9], $0x4000  }
0x6f: {  	s21 =	sadd.s32 $0x8000, s21;
	s22 =	sadd.s32 $0x40, s22;
	[sflag:s9] =	ssyncset.done $0x0  }
0x70: {  	s23 =	sshra.s32 s24, $0x2;
	[sflag:s9] =	ssyncadd.s32 $0xFFFFC000  }
0x71: {  	[tilespmem:s11], [sflag:$0x1] =	stream.indirect.gather [hbm4b:s3+s10], $0x20, s23, s10, $0xb8;
	[tilespmem:$0xE400] =	vst v63  }
0x72: {  	s31 =	rddreg [dreg:$0x3];
	s25 =	sadd.s32 $0x80, s23  }
0x73: {  	[tilespmem:s31], [sflag:$0x1] =	stream.indirect.gather [hbm4b:s3+s10], $0x20, s25, s10, $0xb8;
	[tilespmem:$0xE400] =	vst v63  }
0x74: {  	s26 =	sadd.s32 $0x100, s23  }
0x75: {  	[tilespmem:s12], [sflag:$0x1] =	stream.indirect.gather [hbm4b:s3+s10], $0x20, s26, s10, $0xb8;
	[tilespmem:$0xE400] =	vst v63  }
0x76: {  	s28 =	sadd.s32 $0x180, s23  }
0x77: {  	[tilespmem:s13], [sflag:$0x1] =	stream.indirect.gather [hbm4b:s3+s10], $0x20, s28, s10, $0xb8;
	[tilespmem:$0xE400] =	vst v63  }
0x78: {  	s29 =	sadd.s32 $0x200, s23  }
0x79: {  	[tilespmem:s14], [sflag:$0x1] =	stream.indirect.gather [hbm4b:s3+s10], $0x20, s29, s10, $0xb8;
	[tilespmem:$0xE400] =	vst v63  }
0x7a: {  	s30 =	sadd.s32 $0x280, s23  }
0x7b: {  	[tilespmem:s15], [sflag:$0x1] =	stream.indirect.gather [hbm4b:s3+s10], $0x20, s30, s10, $0xb8;
	[tilespmem:$0xE400] =	vst v63  }
0x7c: {  	s31 =	sadd.s32 $0x300, s23  }
0x7d: {  	[tilespmem:s16], [sflag:$0x1] =	stream.indirect.gather [hbm4b:s3+s10], $0x20, s31, s10, $0xb8;
	[tilespmem:$0xE400] =	vst v63  }
0x7e: {  	s23 =	sadd.s32 $0x380, s23  }
0x7f: {  	[tilespmem:s17], [sflag:$0x1] =	stream.indirect.gather [hbm4b:s3+s10], $0x20, s23, s10, $0xb8;
	[tilespmem:$0xE400] =	vst v63  }
0x80: {  	_ =	swait.ge [sflag:s18], $0x1000  }
0x81: {  	[sflag:s18] =	ssyncset.done $0x0  }
0x82: {  	[sflag:s18] =	ssyncadd.s32 $0xFFFFF000  }
0x83: {  	_ =	swait.ge [sflag:s18], $0x1000  }
0x84: {  	[sflag:s18] =	ssyncset.done $0x0  }
0x85: {  	[sflag:s18] =	ssyncadd.s32 $0xFFFFF000  }
0x86: {  	_ =	swait.ge [sflag:s18], $0x1000  }
0x87: {  	[sflag:s18] =	ssyncset.done $0x0  }
0x88: {  	[sflag:s18] =	ssyncadd.s32 $0xFFFFF000  }
0x89: {  	_ =	swait.ge [sflag:s18], $0x1000  }
0x8a: {  	[sflag:s18] =	ssyncset.done $0x0  }
0x8b: {  	[sflag:s18] =	ssyncadd.s32 $0xFFFFF000  }
0x8c: {  	_ =	swait.ge [sflag:s18], $0x1000  }
0x8d: {  	[sflag:s18] =	ssyncset.done $0x0  }
0x8e: {  	[sflag:s18] =	ssyncadd.s32 $0xFFFFF000  }
0x8f: {  	_ =	swait.ge [sflag:s18], $0x1000  }
0x90: {  	[sflag:s18] =	ssyncset.done $0x0  }
0x91: {  	[sflag:s18] =	ssyncadd.s32 $0xFFFFF000  }
0x92: {  	_ =	swait.ge [sflag:s18], $0x1000  }
0x93: {  	[sflag:s18] =	ssyncset.done $0x0  }
0x94: {  	s21 =	sand.u32 $0x7FFF0000, s21;
	s22 =	sand.u32 $0x40, s22;
	[sflag:s18] =	ssyncadd.s32 $0xFFFFF000  }
0x95: {  	s21 =	sor.u32 s22, s21;
	_ =	swait.ge [sflag:s18], $0x1000  }
0x96: {  	s21 =	sshrl.u32 s21, $0x3;
	[sflag:s18] =	ssyncset.done $0x0  }
0x97: {  	s21 =	sadd.s32 s4, s21;
	[sflag:s18] =	ssyncadd.s32 $0xFFFFF000  }
0x98: {  	[hbm4b:s21+s19] =	stream.strided.scatter [tilespmem:s11], [sflag:$0x2], $0x4000, s10, s19, $0x38;
	[tilespmem:$0xE400] =	vst v63  }
0x99: {  	s20 =	sadd.s32 $0x1, s20;
	_ =	swait.ge [sflag:s9], $0x4000  }
0x9a: {  	p0 =	sne.s32 s20, s6;
	[sflag:s9] =	ssyncset.done $0x0  }
.Ltmp1:
0x9b: {  	s21 =	sadd.s32 $0x4, s21;
	[sflag:s9] =	ssyncadd.s32 $0xFFFFC000;
	(pc) =	sbr.rel @p0 .LBB2_1-.Ltmp1, $4  }
0x9c: {  	[hbm4b:s21+s19] =	stream.strided.scatter [tilespmem:s14], [sflag:$0x2], $0x4000, s10, s19, $0x38;
	[tilespmem:$0xE400] =	vst v63  }
0x9d: {  	_ =	swait.ge [sflag:s9], $0x4000  }
0x9e: {  	[sflag:s9] =	ssyncset.done $0x0  }
0x9f: {  	[sflag:s9] =	ssyncadd.s32 $0xFFFFC000  }
0xa0: {  	_ =	sfence.sel $0x180000  }
0xa1: {  	[bflag:$0x0] =	sbarrier.arrive $0xFFFF  }
0xa2: {  	p0 =	sne.s32 s0, $0x0;
	_ =	strace $0x90000047  }
0xa3: {  	s0 =	sadd.s32 @!p0 $0x100000, s1;
	[bflag:$0x2] =	sbarrier.arrive $0xFFFF  }
0xa4: {  	[sflag:s0] =	ssyncadd.tile.s32 @!p0 $0x1;
	_ =	shalt  }
.Lfunc_end2:
_tile_overlayer_lowered:
.L_overlay_start_2:
0xa5: {  	(tag) =	ssettag $0x2  }
0xa6: {  	s0 =	rddreg [dreg:$0x0];
	s2 =	stileid.u32  }
0xa7: {  	s1 =	rddreg [dreg:$0x1];
	p0 =	sne.s32 s2, $0x0  }
0xa8: {  	s3 =	rddreg [dreg:$0x2];
	[bflag:$0x3] =	sbarrier.arrive $0xFFFF;
	s2 =	simm.s32 @!p0 $0x1C02  }
0xa9: {  	[timem:s3], [sflag:s2] =	dma.local @!p0 [hbm:s0], s1  }
0xaa: {  	s0 =	simm.s32 @!p0 $0x2  }
0xab: {  	_ =	swait.ge @!p0 [sflag:s0], s1  }
0xac: {  	s1 =	ssub.s32 @!p0 $0x0, s1;
	[sflag:s0] =	ssyncset.done @!p0 $0x0  }
0xad: {  	[sflag:s0] =	ssyncadd.s32 @!p0 s1  }
0xae: {  	[bflag:$0x3] =	sbarrier.arrive $0xFFFF  }
0xaf: {  	_ =	shalt  }

</sc_bundles>
